<compile_context>
chip_gen: v7x
topology: tpu7x:2x2x1
jax: 0.10.2.dev20260603
libtpu: 0.0.44.dev20260713+nightly
codegen_flags: <defaults>
</compile_context>

<pallas_src>
import functools

import jax
import jax.numpy as jnp
from jax import lax
from jax.experimental import pallas as pl
from jax.experimental.pallas import tpu as pltpu
from jax.experimental.pallas import tpu_sc as plsc

N = 10000
E = 320000
D = 128
H = 128

NC = 2
NS = 16
NW = NC * NS
E_PER_TILE = E // NW
CHUNK = 125
N_CHUNKS = E_PER_TILE // CHUNK
NPASS = 2
PASS_CHUNKS = N_CHUNKS // NPASS
ROWS_MAIN = 624
ZROWS = 16


def _sc_body(nf_hbm, src_hbm, dst_hbm, out_hbm,
             acc, src_v, dst_v, rows_a, rows_b,
             gsem_a, gsem_b, ssem_a, ssem_b):
    cid = lax.axis_index("c")
    sid = lax.axis_index("s")
    wid = sid * NC + cid

    zvec = jnp.zeros((16,), jnp.float32)

    def zero_body(i, carry):
        r = i // (D // 16)
        col = (i % (D // 16)) * 16
        rows_a[r, pl.ds(col, 16)] = zvec
        return carry

    lax.fori_loop(0, 96 * (D // 16), zero_body, 0)

    row0 = sid * ROWS_MAIN

    def zcopy_body(j, carry):
        pltpu.sync_copy(rows_a.at[pl.ds(0, 96)],
                        acc.at[pl.ds(row0 + j * 96, 96)])
        return carry

    lax.fori_loop(0, 6, zcopy_body, 0)
    pltpu.sync_copy(rows_a.at[pl.ds(0, 48)],
                    acc.at[pl.ds(row0 + 576, 48)])

    @pl.when(sid == NS - 1)
    def _zero_tail():
        pltpu.sync_copy(rows_a.at[pl.ds(0, ZROWS)],
                        acc.at[pl.ds(N - ZROWS, ZROWS)])

    plsc.subcore_barrier()

    def g_start(j, buf, sem):
        pltpu.async_copy(nf_hbm.at[src_v.at[j]], buf, sem)

    def g_wait(buf, sem):
        pltpu.make_async_copy(nf_hbm.at[src_v.at[0]], buf, sem).wait()

    def s_start(j, buf, sem):
        pltpu.async_copy(buf, acc.at[dst_v.at[j]], sem, add=True)

    def s_wait(buf, sem):
        pltpu.make_async_copy(buf, acc.at[dst_v.at[0]], sem).wait()

    for p in range(NPASS):
        pltpu.sync_copy(src_hbm.at[wid, pl.ds(p * PASS_CHUNKS, PASS_CHUNKS)],
                        src_v)
        pltpu.sync_copy(dst_hbm.at[wid, pl.ds(p * PASS_CHUNKS, PASS_CHUNKS)],
                        dst_v)

        g_start(0, rows_a, gsem_a)
        g_wait(rows_a, gsem_a)
        s_start(0, rows_a, ssem_a)
        g_start(1, rows_b, gsem_b)

        def pipe_body(q, carry):
            j = 2 * q + 1
            g_wait(rows_b, gsem_b)
            s_start(j, rows_b, ssem_b)
            s_wait(rows_a, ssem_a)
            g_start(j + 1, rows_a, gsem_a)
            g_wait(rows_a, gsem_a)
            s_start(j + 1, rows_a, ssem_a)
            s_wait(rows_b, ssem_b)
            g_start(j + 2, rows_b, gsem_b)
            return carry

        lax.fori_loop(0, PASS_CHUNKS // 2 - 1, pipe_body, 0)

        g_wait(rows_b, gsem_b)
        s_start(PASS_CHUNKS - 1, rows_b, ssem_b)
        s_wait(rows_a, ssem_a)
        s_wait(rows_b, ssem_b)

    plsc.subcore_barrier()

    pltpu.sync_copy(acc.at[pl.ds(row0, ROWS_MAIN)],
                    out_hbm.at[cid, pl.ds(row0, ROWS_MAIN)])

    @pl.when(sid == NS - 1)
    def _write_tail():
        pltpu.sync_copy(acc.at[pl.ds(N - ZROWS, ZROWS)],
                        out_hbm.at[cid, pl.ds(N - ZROWS, ZROWS)])


def _sc_aggregate(node_feature, src, dst):
    mesh = plsc.VectorSubcoreMesh(core_axis_name="c", subcore_axis_name="s")
    k = pl.kernel(
        _sc_body,
        out_type=jax.ShapeDtypeStruct((NC, N, D), jnp.float32),
        mesh=mesh,
        scratch_types=[
            pltpu.VMEM_SHARED((N, D), jnp.float32),
            pltpu.VMEM((PASS_CHUNKS, CHUNK), jnp.int32),
            pltpu.VMEM((PASS_CHUNKS, CHUNK), jnp.int32),
            pltpu.VMEM((CHUNK, D), jnp.float32),
            pltpu.VMEM((CHUNK, D), jnp.float32),
            pltpu.SemaphoreType.DMA,
            pltpu.SemaphoreType.DMA,
            pltpu.SemaphoreType.DMA,
            pltpu.SemaphoreType.DMA,
        ],
    )
    return k(node_feature,
             src.reshape(NW, N_CHUNKS, CHUNK),
             dst.reshape(NW, N_CHUNKS, CHUNK))


def _mlp_body(parts_ref, nf_ref, w1a_ref, w1b_ref, b1_ref,
              w2_ref, b2_ref, w3_ref, b3_ref, out_ref):
    agg = parts_ref[0] + parts_ref[1]
    h = jnp.dot(agg, w1a_ref[...], preferred_element_type=jnp.float32)
    h += jnp.dot(nf_ref[...], w1b_ref[...], preferred_element_type=jnp.float32)
    h = jnp.maximum(h + b1_ref[...], 0.0)
    h = jnp.dot(h, w2_ref[...], preferred_element_type=jnp.float32)
    h = jnp.maximum(h + b2_ref[...], 0.0)
    h = jnp.dot(h, w3_ref[...], preferred_element_type=jnp.float32)
    out_ref[...] = h + b3_ref[...]


def _mlp(parts, node_feature, W1, b1, W2, b2, W3, b3):
    R = 1000
    grid = (N // R,)
    w1a = W1[:D]
    w1b = W1[D:]
    return pl.pallas_call(
        _mlp_body,
        grid=grid,
        in_specs=[
            pl.BlockSpec((NC, R, D), lambda i: (0, i, 0)),
            pl.BlockSpec((R, D), lambda i: (i, 0)),
            pl.BlockSpec((D, H), lambda i: (0, 0)),
            pl.BlockSpec((D, H), lambda i: (0, 0)),
            pl.BlockSpec((1, H), lambda i: (0, 0)),
            pl.BlockSpec((H, H), lambda i: (0, 0)),
            pl.BlockSpec((1, H), lambda i: (0, 0)),
            pl.BlockSpec((H, D), lambda i: (0, 0)),
            pl.BlockSpec((1, D), lambda i: (0, 0)),
        ],
        out_specs=pl.BlockSpec((R, D), lambda i: (i, 0)),
        out_shape=jax.ShapeDtypeStruct((N, D), jnp.float32),
    )(parts, node_feature, w1a, w1b, b1.reshape(1, H),
      W2, b2.reshape(1, H), W3, b3.reshape(1, D))


@jax.jit
def kernel(node_feature, edge_index, W1, b1, W2, b2, W3, b3):
    src = edge_index[0]
    dst = edge_index[1]
    parts = _sc_aggregate(node_feature, src, dst)
    return _mlp(parts, node_feature, W1, b1, W2, b2, W3, b3)

# --- scband reference (transcript-rebuilt; emitter-appended) ---
"""Pipeline reference for scband-feed-forward-neighbor-28174985462499 (READ-ONLY COPY).

The authoritative reference and input builder live on the scoring server;
editing this copy changes nothing except your own understanding.
"""

import jax, jax.numpy as jnp
import numpy as np

N = 10000   # n_nodes
E = 320000  # n_edges
D = 128     # model_dim
H = 128     # hidden width from num_neurons=[128, 128]


def setup_inputs(seed: int = 0) -> dict:
    key = jax.random.key(seed)
    ks = jax.random.split(key, 8)
    node_feature = jax.random.normal(ks[0], (N, D), dtype=jnp.float32)
    edge_index = jax.random.randint(ks[1], (2, E), 0, N, dtype=jnp.int32)
    # MLP for node type 0: Linear(2*D -> H) -> ReLU -> Linear(H -> H) -> ReLU -> Linear(H -> D)
    # Input dim is (neighbor_degree + 1) * model_dim = 2 * D since neighbor_degree=1.
    s1 = 1.0 / np.sqrt(2 * D)
    s2 = 1.0 / np.sqrt(H)
    W1 = jax.random.uniform(ks[2], (2 * D, H), dtype=jnp.float32, minval=-s1, maxval=s1)
    b1 = jax.random.uniform(ks[3], (H,), dtype=jnp.float32, minval=-s1, maxval=s1)
    W2 = jax.random.uniform(ks[4], (H, H), dtype=jnp.float32, minval=-s2, maxval=s2)
    b2 = jax.random.uniform(ks[5], (H,), dtype=jnp.float32, minval=-s2, maxval=s2)
    W3 = jax.random.uniform(ks[6], (H, D), dtype=jnp.float32, minval=-s2, maxval=s2)
    b3 = jax.random.uniform(ks[7], (D,), dtype=jnp.float32, minval=-s2, maxval=s2)
    return {
        "node_feature": node_feature,
        "edge_index": edge_index,
        "W1": W1, "b1": b1,
        "W2": W2, "b2": b2,
        "W3": W3, "b3": b3,
    }


def reference(node_feature, edge_index, W1, b1, W2, b2, W3, b3):
    # neighbor_degree == 1, single node type (type 0 covers all nodes),
    # single edge type (covers all edges).
    src = edge_index[0]
    dst = edge_index[1]
    # message_function: neighbor_feature = src node_feature (gather)
    msgs = jnp.take(node_feature, src, axis=0)
    # reduce_function: sum over mailbox -> scatter-add / segment_sum onto dst
    aggregated_message = jax.ops.segment_sum(msgs, dst, num_segments=N)
    # apply_node_function_yes_neighbor: concat(aggregated_message, node_feature) -> MLP
    _inp = jnp.concatenate([aggregated_message, node_feature], axis=-1)
    h = jax.nn.relu(_inp @ W1 + b1)
    h = jax.nn.relu(h @ W2 + b2)
    updated_node_feature = h @ W3 + b3
    return updated_node_feature

if __name__ == "__main__":
    import jax
    _d = setup_inputs()
    print(jax.jit(kernel)(*tuple(_d.values())))

</pallas_src>

<mosaic_0001>
#map = affine_map<(d0, d1) -> (0, 0)>
#map1 = affine_map<(d0, d1) -> (0, 0, 0)>
module attributes {stable_mosaic.version = 14 : i64} {
  func.func @_sc_body(%arg0: i32, %arg1: i32, %arg2: memref<10000x128xf32, #tpu.memory_space<hbm>>, %arg3: memref<32x80x125xi32, #tpu.memory_space<hbm>>, %arg4: memref<32x80x125xi32, #tpu.memory_space<hbm>>, %arg5: memref<2x10000x128xf32, #tpu.memory_space<hbm>>, %arg6: memref<10000x128xf32, #tpu.memory_space<vmem_shared>>, %arg7: memref<40x125xi32, #tpu.memory_space<vmem>>, %arg8: memref<40x125xi32, #tpu.memory_space<vmem>>, %arg9: memref<125x128xf32, #tpu.memory_space<vmem>>, %arg10: memref<125x128xf32, #tpu.memory_space<vmem>>, %arg11: memref<!tpu.dma_semaphore, #tpu.memory_space<semaphore_mem>>, %arg12: memref<!tpu.dma_semaphore, #tpu.memory_space<semaphore_mem>>, %arg13: memref<!tpu.dma_semaphore, #tpu.memory_space<semaphore_mem>>, %arg14: memref<!tpu.dma_semaphore, #tpu.memory_space<semaphore_mem>>) attributes {dimension_semantics = [#tpu.dimension_semantics<core_parallel>, #tpu.dimension_semantics<subcore_parallel>], iteration_bounds = array<i64: 2, 16>, scalar_prefetch = 0 : i64, scratch_operands = 9 : i64, tpu.core_type = #tpu.core_type<sc_vector_subcore>, window_params = [{transform_indices = #map}, {transform_indices = #map1}, {transform_indices = #map1}, {transform_indices = #map1}]} {
    %mul3A = arith.constant 2 : i32
    %mul3A_0 = arith.muli %arg1, %mul3A : i32
    %add3A = arith.addi %mul3A_0, %arg0 : i32
    %broadcast_in_dim3A = arith.constant 0.000000e+00 : f32
    %broadcast_in_dim3A_1 = vector.broadcast %broadcast_in_dim3A : f32 to vector<16xf32>
    %scan3A = arith.constant 0 : i32
    %scan3A_2 = arith.constant 0 : i32
    %scan3A_3 = arith.constant 768 : i32
    %scan3A_4 = arith.addi %scan3A_2, %scan3A_3 : i32
    %scan3A_5 = arith.constant 1 : i32
    scf.for %scan3A_147 = %scan3A_2 to %scan3A_4 step %scan3A_5  : i32 {
      %jit3A = arith.constant 8 : i32
      %div3A = arith.divsi %scan3A_147, %jit3A : i32
      %sign3A = arith.constant 0 : i32
      %sign3A_148 = arith.cmpi sgt, %scan3A_147, %sign3A : i32
      %sign3A_149 = arith.extui %sign3A_148 : i1 to i32
      %sign3A_150 = arith.constant 0 : i32
      %sign3A_151 = arith.cmpi slt, %scan3A_147, %sign3A_150 : i32
      %sign3A_152 = arith.extui %sign3A_151 : i1 to i32
      %sign3A_153 = arith.subi %sign3A_149, %sign3A_152 : i32
      %sign3A_154 = arith.constant 0 : i32
      %sign3A_155 = arith.cmpi sgt, %jit3A, %sign3A_154 : i32
      %sign3A_156 = arith.extui %sign3A_155 : i1 to i32
      %sign3A_157 = arith.constant 0 : i32
      %sign3A_158 = arith.cmpi slt, %jit3A, %sign3A_157 : i32
      %sign3A_159 = arith.extui %sign3A_158 : i1 to i32
      %sign3A_160 = arith.subi %sign3A_156, %sign3A_159 : i32
      %ne3A = arith.cmpi ne, %sign3A_153, %sign3A_160 : i32
      %rem3A = arith.remsi %scan3A_147, %jit3A : i32
      %ne3A_161 = arith.constant 0 : i32
      %ne3A_162 = arith.cmpi ne, %rem3A, %ne3A_161 : i32
      %and3A = arith.andi %ne3A, %ne3A_162 : i1
      %sub3A = arith.constant 1 : i32
      %sub3A_163 = arith.subi %div3A, %sub3A : i32
      %select_n3A = arith.select %and3A, %sub3A_163, %div3A : i32
      %jit3A_164 = arith.constant 8 : i32
      %eq3A_165 = arith.constant 0 : i32
      %eq3A_166 = arith.cmpi eq, %jit3A_164, %eq3A_165 : i32
      %jit3A_167 = arith.constant 1 : i32
      %select_n3A_168 = arith.select %eq3A_166, %jit3A_167, %jit3A_164 : i32
      %rem3A_169 = arith.remsi %scan3A_147, %select_n3A_168 : i32
      %ne3A_170 = arith.constant 0 : i32
      %ne3A_171 = arith.cmpi ne, %rem3A_169, %ne3A_170 : i32
      %lt3A = arith.constant 0 : i32
      %lt3A_172 = arith.cmpi slt, %rem3A_169, %lt3A : i32
      %lt3A_173 = arith.constant 0 : i32
      %lt3A_174 = arith.cmpi slt, %select_n3A_168, %lt3A_173 : i32
      %ne3A_175 = arith.xori %lt3A_172, %lt3A_174 : i1
      %and3A_176 = arith.andi %ne3A_175, %ne3A_171 : i1
      %add3A_177 = arith.addi %rem3A_169, %select_n3A_168 : i32
      %select_n3A_178 = arith.select %and3A_176, %add3A_177, %rem3A_169 : i32
      %mul3A_179 = arith.constant 16 : i32
      %mul3A_180 = arith.muli %select_n3A_178, %mul3A_179 : i32
      %swap3A = arith.index_cast %select_n3A : i32 to index
      %swap3A_181 = arith.index_cast %mul3A_180 : i32 to index
      %swap3A_182 = tpu.vector_load %arg9[%swap3A, %swap3A_181] {strides = array<i32>} : memref<125x128xf32, #tpu.memory_space<vmem>>, vector<1x16xf32>,
      %swap3A_183 = vector.shape_cast %swap3A_182 : vector<1x16xf32> to vector<16xf32>
      %swap3A_184 = vector.shape_cast %broadcast_in_dim3A_1 : vector<16xf32> to vector<1x16xf32>
      tpu.vector_store %arg9[%swap3A, %swap3A_181], %swap3A_184 {strides = array<i32>} : memref<125x128xf32, #tpu.memory_space<vmem>>, vector<1x16xf32>,
    }
    %scan3A_6 = arith.constant 768 : i32
    %mul3A_7 = arith.constant 624 : i32
    %mul3A_8 = arith.muli %arg1, %mul3A_7 : i32
    %scan3A_9 = arith.constant 0 : i32
    %scan3A_10 = arith.constant 0 : i32
    %scan3A_11 = arith.constant 6 : i32
    %scan3A_12 = arith.addi %scan3A_10, %scan3A_11 : i32
    %scan3A_13 = arith.constant 1 : i32
    scf.for %scan3A_147 = %scan3A_10 to %scan3A_12 step %scan3A_13  : i32 {
      %mul3A_148 = arith.constant 96 : i32
      %mul3A_149 = arith.muli %scan3A_147, %mul3A_148 : i32
      %add3A_150 = arith.addi %mul3A_8, %mul3A_149 : i32
      "tpu.region"() ({
        %run_scoped3A = tpu.sem_alloc : memref<!tpu.dma_semaphore, #tpu.memory_space<semaphore_mem>>
        %dma_start3A_151 = arith.constant 0 : i32
        %dma_start3A_152 = arith.constant 0 : i32
        %dma_start3A_153 = tpu.memref_slice %arg9[%dma_start3A_151, %dma_start3A_152] : memref<125x128xf32, #tpu.memory_space<vmem>> -> memref<96x128xf32, #tpu.memory_space<vmem>>
        %dma_start3A_154 = arith.constant 0 : i32
        %dma_start3A_155 = tpu.memref_slice %arg6[%add3A_150, %dma_start3A_154] : memref<10000x128xf32, #tpu.memory_space<vmem_shared>> -> memref<96x128xf32, #tpu.memory_space<vmem_shared>>
        %dma_start3A_156 = arith.constant 0 : i32
        %dma_start3A_157 = tpu.memref_slice %arg6[%add3A_150, %dma_start3A_156] : memref<10000x128xf32, #tpu.memory_space<vmem_shared>> -> memref<96x128xf32, #tpu.memory_space<vmem_shared>>
        %dma_start3A_158 = arith.constant 0 : i32
        %dma_start3A_159 = arith.constant 0 : i32
        %dma_start3A_160 = tpu.memref_slice %arg9[%dma_start3A_158, %dma_start3A_159] : memref<125x128xf32, #tpu.memory_space<vmem>> -> memref<96x128xf32, #tpu.memory_space<vmem>>
        tpu.enqueue_dma source(%dma_start3A_160 : memref<96x128xf32, #tpu.memory_space<vmem>>) target(%dma_start3A_157 : memref<96x128xf32, #tpu.memory_space<vmem_shared>>) target_semaphore(%run_scoped3A : memref<!tpu.dma_semaphore, #tpu.memory_space<semaphore_mem>>)
        %dma_wait3A_161 = arith.constant 0 : i32
        %dma_wait3A_162 = arith.constant 0 : i32
        %dma_wait3A_163 = tpu.memref_slice %arg9[%dma_wait3A_161, %dma_wait3A_162] : memref<125x128xf32, #tpu.memory_space<vmem>> -> memref<96x128xf32, #tpu.memory_space<vmem>>
        %dma_wait3A_164 = arith.constant 0 : i32
        %dma_wait3A_165 = tpu.memref_slice %arg6[%add3A_150, %dma_wait3A_164] : memref<10000x128xf32, #tpu.memory_space<vmem_shared>> -> memref<96x128xf32, #tpu.memory_space<vmem_shared>>
        %dma_wait3A_166 = arith.constant 0 : i32
        %dma_wait3A_167 = tpu.memref_slice %arg6[%add3A_150, %dma_wait3A_166] : memref<10000x128xf32, #tpu.memory_space<vmem_shared>> -> memref<96x128xf32, #tpu.memory_space<vmem_shared>>
        %dma_wait3A_168 = arith.constant 0 : i32
        %dma_wait3A_169 = arith.constant 0 : i32
        %dma_wait3A_170 = tpu.memref_slice %arg9[%dma_wait3A_168, %dma_wait3A_169] : memref<125x128xf32, #tpu.memory_space<vmem>> -> memref<96x128xf32, #tpu.memory_space<vmem>>
        tpu.wait_dma2 semaphore(%run_scoped3A : memref<!tpu.dma_semaphore, #tpu.memory_space<semaphore_mem>>) src(%dma_wait3A_170 : memref<96x128xf32, #tpu.memory_space<vmem>>) dst(%dma_wait3A_167 : memref<96x128xf32, #tpu.memory_space<vmem_shared>>)
        tpu.yield
      }) : () -> ()
    }
    %scan3A_14 = arith.constant 6 : i32
    %add3A_15 = arith.constant 576 : i32
    %add3A_16 = arith.addi %mul3A_8, %add3A_15 : i32
    "tpu.region"() ({
      %run_scoped3A = tpu.sem_alloc : memref<!tpu.dma_semaphore, #tpu.memory_space<semaphore_mem>>
      %dma_start3A_147 = arith.constant 0 : i32
      %dma_start3A_148 = arith.constant 0 : i32
      %dma_start3A_149 = tpu.memref_slice %arg9[%dma_start3A_147, %dma_start3A_148] : memref<125x128xf32, #tpu.memory_space<vmem>> -> memref<48x128xf32, #tpu.memory_space<vmem>>
      %dma_start3A_150 = arith.constant 0 : i32
      %dma_start3A_151 = tpu.memref_slice %arg6[%add3A_16, %dma_start3A_150] : memref<10000x128xf32, #tpu.memory_space<vmem_shared>> -> memref<48x128xf32, #tpu.memory_space<vmem_shared>>
      %dma_start3A_152 = arith.constant 0 : i32
      %dma_start3A_153 = tpu.memref_slice %arg6[%add3A_16, %dma_start3A_152] : memref<10000x128xf32, #tpu.memory_space<vmem_shared>> -> memref<48x128xf32, #tpu.memory_space<vmem_shared>>
      %dma_start3A_154 = arith.constant 0 : i32
      %dma_start3A_155 = arith.constant 0 : i32
      %dma_start3A_156 = tpu.memref_slice %arg9[%dma_start3A_154, %dma_start3A_155] : memref<125x128xf32, #tpu.memory_space<vmem>> -> memref<48x128xf32, #tpu.memory_space<vmem>>
      tpu.enqueue_dma source(%dma_start3A_156 : memref<48x128xf32, #tpu.memory_space<vmem>>) target(%dma_start3A_153 : memref<48x128xf32, #tpu.memory_space<vmem_shared>>) target_semaphore(%run_scoped3A : memref<!tpu.dma_semaphore, #tpu.memory_space<semaphore_mem>>)
      %dma_wait3A_157 = arith.constant 0 : i32
      %dma_wait3A_158 = arith.constant 0 : i32
      %dma_wait3A_159 = tpu.memref_slice %arg9[%dma_wait3A_157, %dma_wait3A_158] : memref<125x128xf32, #tpu.memory_space<vmem>> -> memref<48x128xf32, #tpu.memory_space<vmem>>
      %dma_wait3A_160 = arith.constant 0 : i32
      %dma_wait3A_161 = tpu.memref_slice %arg6[%add3A_16, %dma_wait3A_160] : memref<10000x128xf32, #tpu.memory_space<vmem_shared>> -> memref<48x128xf32, #tpu.memory_space<vmem_shared>>
      %dma_wait3A_162 = arith.constant 0 : i32
      %dma_wait3A_163 = tpu.memref_slice %arg6[%add3A_16, %dma_wait3A_162] : memref<10000x128xf32, #tpu.memory_space<vmem_shared>> -> memref<48x128xf32, #tpu.memory_space<vmem_shared>>
      %dma_wait3A_164 = arith.constant 0 : i32
      %dma_wait3A_165 = arith.constant 0 : i32
      %dma_wait3A_166 = tpu.memref_slice %arg9[%dma_wait3A_164, %dma_wait3A_165] : memref<125x128xf32, #tpu.memory_space<vmem>> -> memref<48x128xf32, #tpu.memory_space<vmem>>
      tpu.wait_dma2 semaphore(%run_scoped3A : memref<!tpu.dma_semaphore, #tpu.memory_space<semaphore_mem>>) src(%dma_wait3A_166 : memref<48x128xf32, #tpu.memory_space<vmem>>) dst(%dma_wait3A_163 : memref<48x128xf32, #tpu.memory_space<vmem_shared>>)
      tpu.yield
    }) : () -> ()
    %eq3A = arith.constant 15 : i32
    %eq3A_17 = arith.cmpi eq, %arg1, %eq3A : i32
    %convert_element_type3A = arith.extui %eq3A_17 : i1 to i32
    %cond3A = arith.constant 0 : i32
    %cond3A_18 = arith.cmpi ne, %convert_element_type3A, %cond3A : i32
    scf.if %cond3A_18 {
      "tpu.region"() ({
        %run_scoped3A = tpu.sem_alloc : memref<!tpu.dma_semaphore, #tpu.memory_space<semaphore_mem>>
        %dma_start3A_147 = arith.constant 0 : i32
        %dma_start3A_148 = arith.constant 0 : i32
        %dma_start3A_149 = tpu.memref_slice %arg9[%dma_start3A_147, %dma_start3A_148] : memref<125x128xf32, #tpu.memory_space<vmem>> -> memref<16x128xf32, #tpu.memory_space<vmem>>
        %dma_start3A_150 = arith.constant 9984 : i32
        %dma_start3A_151 = arith.constant 0 : i32
        %dma_start3A_152 = tpu.memref_slice %arg6[%dma_start3A_150, %dma_start3A_151] : memref<10000x128xf32, #tpu.memory_space<vmem_shared>> -> memref<16x128xf32, #tpu.memory_space<vmem_shared>>
        %dma_start3A_153 = arith.constant 9984 : i32
        %dma_start3A_154 = arith.constant 0 : i32
        %dma_start3A_155 = tpu.memref_slice %arg6[%dma_start3A_153, %dma_start3A_154] : memref<10000x128xf32, #tpu.memory_space<vmem_shared>> -> memref<16x128xf32, #tpu.memory_space<vmem_shared>>
        %dma_start3A_156 = arith.constant 0 : i32
        %dma_start3A_157 = arith.constant 0 : i32
        %dma_start3A_158 = tpu.memref_slice %arg9[%dma_start3A_156, %dma_start3A_157] : memref<125x128xf32, #tpu.memory_space<vmem>> -> memref<16x128xf32, #tpu.memory_space<vmem>>
        tpu.enqueue_dma source(%dma_start3A_158 : memref<16x128xf32, #tpu.memory_space<vmem>>) target(%dma_start3A_155 : memref<16x128xf32, #tpu.memory_space<vmem_shared>>) target_semaphore(%run_scoped3A : memref<!tpu.dma_semaphore, #tpu.memory_space<semaphore_mem>>)
        %dma_wait3A_159 = arith.constant 0 : i32
        %dma_wait3A_160 = arith.constant 0 : i32
        %dma_wait3A_161 = tpu.memref_slice %arg9[%dma_wait3A_159, %dma_wait3A_160] : memref<125x128xf32, #tpu.memory_space<vmem>> -> memref<16x128xf32, #tpu.memory_space<vmem>>
        %dma_wait3A_162 = arith.constant 9984 : i32
        %dma_wait3A_163 = arith.constant 0 : i32
        %dma_wait3A_164 = tpu.memref_slice %arg6[%dma_wait3A_162, %dma_wait3A_163] : memref<10000x128xf32, #tpu.memory_space<vmem_shared>> -> memref<16x128xf32, #tpu.memory_space<vmem_shared>>
        %dma_wait3A_165 = arith.constant 9984 : i32
        %dma_wait3A_166 = arith.constant 0 : i32
        %dma_wait3A_167 = tpu.memref_slice %arg6[%dma_wait3A_165, %dma_wait3A_166] : memref<10000x128xf32, #tpu.memory_space<vmem_shared>> -> memref<16x128xf32, #tpu.memory_space<vmem_shared>>
        %dma_wait3A_168 = arith.constant 0 : i32
        %dma_wait3A_169 = arith.constant 0 : i32
        %dma_wait3A_170 = tpu.memref_slice %arg9[%dma_wait3A_168, %dma_wait3A_169] : memref<125x128xf32, #tpu.memory_space<vmem>> -> memref<16x128xf32, #tpu.memory_space<vmem>>
        tpu.wait_dma2 semaphore(%run_scoped3A : memref<!tpu.dma_semaphore, #tpu.memory_space<semaphore_mem>>) src(%dma_wait3A_170 : memref<16x128xf32, #tpu.memory_space<vmem>>) dst(%dma_wait3A_167 : memref<16x128xf32, #tpu.memory_space<vmem_shared>>)
        tpu.yield
      }) : () -> ()
    } else {
    }
    %barrier3A = arith.constant 0 : index
    tpu.barrier barrier_id(%barrier3A)
    "tpu.region"() ({
      %run_scoped3A = tpu.sem_alloc : memref<!tpu.dma_semaphore, #tpu.memory_space<semaphore_mem>>
      %dma_start3A_147 = arith.constant 0 : i32
      %dma_start3A_148 = arith.constant 0 : i32
      %dma_start3A_149 = tpu.memref_slice %arg3[%add3A, %dma_start3A_147, %dma_start3A_148] : memref<32x80x125xi32, #tpu.memory_space<hbm>> -> memref<1x40x125xi32, #tpu.memory_space<hbm>>
      %dma_start3A_150 = tpu.memref_squeeze %dma_start3A_149 : memref<1x40x125xi32, #tpu.memory_space<hbm>> -> memref<40x125xi32, #tpu.memory_space<hbm>>
      %dma_start3A_151 = arith.constant 0 : i32
      %dma_start3A_152 = arith.constant 0 : i32
      %dma_start3A_153 = tpu.memref_slice %arg3[%add3A, %dma_start3A_151, %dma_start3A_152] : memref<32x80x125xi32, #tpu.memory_space<hbm>> -> memref<1x40x125xi32, #tpu.memory_space<hbm>>
      %dma_start3A_154 = tpu.memref_squeeze %dma_start3A_153 : memref<1x40x125xi32, #tpu.memory_space<hbm>> -> memref<40x125xi32, #tpu.memory_space<hbm>>
      tpu.enqueue_dma source(%dma_start3A_154 : memref<40x125xi32, #tpu.memory_space<hbm>>) target(%arg7 : memref<40x125xi32, #tpu.memory_space<vmem>>) target_semaphore(%run_scoped3A : memref<!tpu.dma_semaphore, #tpu.memory_space<semaphore_mem>>)
      %dma_wait3A_155 = arith.constant 0 : i32
      %dma_wait3A_156 = arith.constant 0 : i32
      %dma_wait3A_157 = tpu.memref_slice %arg3[%add3A, %dma_wait3A_155, %dma_wait3A_156] : memref<32x80x125xi32, #tpu.memory_space<hbm>> -> memref<1x40x125xi32, #tpu.memory_space<hbm>>
      %dma_wait3A_158 = tpu.memref_squeeze %dma_wait3A_157 : memref<1x40x125xi32, #tpu.memory_space<hbm>> -> memref<40x125xi32, #tpu.memory_space<hbm>>
      %dma_wait3A_159 = arith.constant 0 : i32
      %dma_wait3A_160 = arith.constant 0 : i32
      %dma_wait3A_161 = tpu.memref_slice %arg3[%add3A, %dma_wait3A_159, %dma_wait3A_160] : memref<32x80x125xi32, #tpu.memory_space<hbm>> -> memref<1x40x125xi32, #tpu.memory_space<hbm>>
      %dma_wait3A_162 = tpu.memref_squeeze %dma_wait3A_161 : memref<1x40x125xi32, #tpu.memory_space<hbm>> -> memref<40x125xi32, #tpu.memory_space<hbm>>
      tpu.wait_dma2 semaphore(%run_scoped3A : memref<!tpu.dma_semaphore, #tpu.memory_space<semaphore_mem>>) src(%dma_wait3A_162 : memref<40x125xi32, #tpu.memory_space<hbm>>) dst(%arg7 : memref<40x125xi32, #tpu.memory_space<vmem>>)
      tpu.yield
    }) : () -> ()
    "tpu.region"() ({
      %run_scoped3A = tpu.sem_alloc : memref<!tpu.dma_semaphore, #tpu.memory_space<semaphore_mem>>
      %dma_start3A_147 = arith.constant 0 : i32
      %dma_start3A_148 = arith.constant 0 : i32
      %dma_start3A_149 = tpu.memref_slice %arg4[%add3A, %dma_start3A_147, %dma_start3A_148] : memref<32x80x125xi32, #tpu.memory_space<hbm>> -> memref<1x40x125xi32, #tpu.memory_space<hbm>>
      %dma_start3A_150 = tpu.memref_squeeze %dma_start3A_149 : memref<1x40x125xi32, #tpu.memory_space<hbm>> -> memref<40x125xi32, #tpu.memory_space<hbm>>
      %dma_start3A_151 = arith.constant 0 : i32
      %dma_start3A_152 = arith.constant 0 : i32
      %dma_start3A_153 = tpu.memref_slice %arg4[%add3A, %dma_start3A_151, %dma_start3A_152] : memref<32x80x125xi32, #tpu.memory_space<hbm>> -> memref<1x40x125xi32, #tpu.memory_space<hbm>>
      %dma_start3A_154 = tpu.memref_squeeze %dma_start3A_153 : memref<1x40x125xi32, #tpu.memory_space<hbm>> -> memref<40x125xi32, #tpu.memory_space<hbm>>
      tpu.enqueue_dma source(%dma_start3A_154 : memref<40x125xi32, #tpu.memory_space<hbm>>) target(%arg8 : memref<40x125xi32, #tpu.memory_space<vmem>>) target_semaphore(%run_scoped3A : memref<!tpu.dma_semaphore, #tpu.memory_space<semaphore_mem>>)
      %dma_wait3A_155 = arith.constant 0 : i32
      %dma_wait3A_156 = arith.constant 0 : i32
      %dma_wait3A_157 = tpu.memref_slice %arg4[%add3A, %dma_wait3A_155, %dma_wait3A_156] : memref<32x80x125xi32, #tpu.memory_space<hbm>> -> memref<1x40x125xi32, #tpu.memory_space<hbm>>
      %dma_wait3A_158 = tpu.memref_squeeze %dma_wait3A_157 : memref<1x40x125xi32, #tpu.memory_space<hbm>> -> memref<40x125xi32, #tpu.memory_space<hbm>>
      %dma_wait3A_159 = arith.constant 0 : i32
      %dma_wait3A_160 = arith.constant 0 : i32
      %dma_wait3A_161 = tpu.memref_slice %arg4[%add3A, %dma_wait3A_159, %dma_wait3A_160] : memref<32x80x125xi32, #tpu.memory_space<hbm>> -> memref<1x40x125xi32, #tpu.memory_space<hbm>>
      %dma_wait3A_162 = tpu.memref_squeeze %dma_wait3A_161 : memref<1x40x125xi32, #tpu.memory_space<hbm>> -> memref<40x125xi32, #tpu.memory_space<hbm>>
      tpu.wait_dma2 semaphore(%run_scoped3A : memref<!tpu.dma_semaphore, #tpu.memory_space<semaphore_mem>>) src(%dma_wait3A_162 : memref<40x125xi32, #tpu.memory_space<hbm>>) dst(%arg8 : memref<40x125xi32, #tpu.memory_space<vmem>>)
      tpu.yield
    }) : () -> ()
    %dma_start3A = arith.constant 0 : i32
    %dma_start3A_19 = arith.constant 0 : i32
    %dma_start3A_20 = tpu.memref_slice %arg7[%dma_start3A, %dma_start3A_19] : memref<40x125xi32, #tpu.memory_space<vmem>> -> memref<1x125xi32, #tpu.memory_space<vmem>>
    %dma_start3A_21 = tpu.memref_squeeze %dma_start3A_20 : memref<1x125xi32, #tpu.memory_space<vmem>> -> memref<125xi32, #tpu.memory_space<vmem>>
    %dma_start3A_22 = arith.constant 0 : i32
    %dma_start3A_23 = arith.constant 0 : i32
    %dma_start3A_24 = tpu.memref_slice %arg2[%dma_start3A_22, %dma_start3A_23] : memref<10000x128xf32, #tpu.memory_space<hbm>> -> memref<10000x128xf32, #tpu.memory_space<hbm>>
    tpu.enqueue_indirect_dma source(%dma_start3A_24 : memref<10000x128xf32, #tpu.memory_space<hbm>>) target(%arg9 : memref<125x128xf32, #tpu.memory_space<vmem>>) offsets(%dma_start3A_21 : memref<125xi32, #tpu.memory_space<vmem>>) semaphore(%arg11 : memref<!tpu.dma_semaphore, #tpu.memory_space<semaphore_mem>>)
    %dma_wait3A = arith.constant 0 : i32
    %dma_wait3A_25 = arith.constant 0 : i32
    %dma_wait3A_26 = tpu.memref_slice %arg7[%dma_wait3A, %dma_wait3A_25] : memref<40x125xi32, #tpu.memory_space<vmem>> -> memref<1x125xi32, #tpu.memory_space<vmem>>
    %dma_wait3A_27 = tpu.memref_squeeze %dma_wait3A_26 : memref<1x125xi32, #tpu.memory_space<vmem>> -> memref<125xi32, #tpu.memory_space<vmem>>
    %dma_wait3A_28 = arith.constant 0 : i32
    %dma_wait3A_29 = arith.constant 0 : i32
    %dma_wait3A_30 = tpu.memref_slice %arg2[%dma_wait3A_28, %dma_wait3A_29] : memref<10000x128xf32, #tpu.memory_space<hbm>> -> memref<10000x128xf32, #tpu.memory_space<hbm>>
    tpu.wait_indirect_dma semaphore(%arg11 : memref<!tpu.dma_semaphore, #tpu.memory_space<semaphore_mem>>) src(%dma_wait3A_30 : memref<10000x128xf32, #tpu.memory_space<hbm>>) dst(%arg9 : memref<125x128xf32, #tpu.memory_space<vmem>>)
    %dma_start3A_31 = arith.constant 0 : i32
    %dma_start3A_32 = arith.constant 0 : i32
    %dma_start3A_33 = tpu.memref_slice %arg8[%dma_start3A_31, %dma_start3A_32] : memref<40x125xi32, #tpu.memory_space<vmem>> -> memref<1x125xi32, #tpu.memory_space<vmem>>
    %dma_start3A_34 = tpu.memref_squeeze %dma_start3A_33 : memref<1x125xi32, #tpu.memory_space<vmem>> -> memref<125xi32, #tpu.memory_space<vmem>>
    %dma_start3A_35 = arith.constant 0 : i32
    %dma_start3A_36 = arith.constant 0 : i32
    %dma_start3A_37 = tpu.memref_slice %arg6[%dma_start3A_35, %dma_start3A_36] : memref<10000x128xf32, #tpu.memory_space<vmem_shared>> -> memref<10000x128xf32, #tpu.memory_space<vmem_shared>>
    tpu.enqueue_indirect_dma source(%arg9 : memref<125x128xf32, #tpu.memory_space<vmem>>) target(%dma_start3A_37 : memref<10000x128xf32, #tpu.memory_space<vmem_shared>>) offsets(%dma_start3A_34 : memref<125xi32, #tpu.memory_space<vmem>>) semaphore(%arg13 : memref<!tpu.dma_semaphore, #tpu.memory_space<semaphore_mem>>) {add = true}
    %dma_start3A_38 = arith.constant 1 : i32
    %dma_start3A_39 = arith.constant 0 : i32
    %dma_start3A_40 = tpu.memref_slice %arg7[%dma_start3A_38, %dma_start3A_39] : memref<40x125xi32, #tpu.memory_space<vmem>> -> memref<1x125xi32, #tpu.memory_space<vmem>>
    %dma_start3A_41 = tpu.memref_squeeze %dma_start3A_40 : memref<1x125xi32, #tpu.memory_space<vmem>> -> memref<125xi32, #tpu.memory_space<vmem>>
    %dma_start3A_42 = arith.constant 0 : i32
    %dma_start3A_43 = arith.constant 0 : i32
    %dma_start3A_44 = tpu.memref_slice %arg2[%dma_start3A_42, %dma_start3A_43] : memref<10000x128xf32, #tpu.memory_space<hbm>> -> memref<10000x128xf32, #tpu.memory_space<hbm>>
    tpu.enqueue_indirect_dma source(%dma_start3A_44 : memref<10000x128xf32, #tpu.memory_space<hbm>>) target(%arg10 : memref<125x128xf32, #tpu.memory_space<vmem>>) offsets(%dma_start3A_41 : memref<125xi32, #tpu.memory_space<vmem>>) semaphore(%arg12 : memref<!tpu.dma_semaphore, #tpu.memory_space<semaphore_mem>>)
    %scan3A_45 = arith.constant 0 : i32
    %scan3A_46 = arith.constant 0 : i32
    %scan3A_47 = arith.constant 19 : i32
    %scan3A_48 = arith.addi %scan3A_46, %scan3A_47 : i32
    %scan3A_49 = arith.constant 1 : i32
    scf.for %scan3A_147 = %scan3A_46 to %scan3A_48 step %scan3A_49  : i32 {
      %mul3A_148 = arith.constant 2 : i32
      %mul3A_149 = arith.muli %mul3A_148, %scan3A_147 : i32
      %add3A_150 = arith.constant 1 : i32
      %add3A_151 = arith.addi %mul3A_149, %add3A_150 : i32
      %dma_wait3A_152 = arith.constant 0 : i32
      %dma_wait3A_153 = arith.constant 0 : i32
      %dma_wait3A_154 = tpu.memref_slice %arg7[%dma_wait3A_152, %dma_wait3A_153] : memref<40x125xi32, #tpu.memory_space<vmem>> -> memref<1x125xi32, #tpu.memory_space<vmem>>
      %dma_wait3A_155 = tpu.memref_squeeze %dma_wait3A_154 : memref<1x125xi32, #tpu.memory_space<vmem>> -> memref<125xi32, #tpu.memory_space<vmem>>
      %dma_wait3A_156 = arith.constant 0 : i32
      %dma_wait3A_157 = arith.constant 0 : i32
      %dma_wait3A_158 = tpu.memref_slice %arg2[%dma_wait3A_156, %dma_wait3A_157] : memref<10000x128xf32, #tpu.memory_space<hbm>> -> memref<10000x128xf32, #tpu.memory_space<hbm>>
      tpu.wait_indirect_dma semaphore(%arg12 : memref<!tpu.dma_semaphore, #tpu.memory_space<semaphore_mem>>) src(%dma_wait3A_158 : memref<10000x128xf32, #tpu.memory_space<hbm>>) dst(%arg10 : memref<125x128xf32, #tpu.memory_space<vmem>>)
      %dma_start3A_159 = arith.constant 0 : i32
      %dma_start3A_160 = tpu.memref_slice %arg8[%add3A_151, %dma_start3A_159] : memref<40x125xi32, #tpu.memory_space<vmem>> -> memref<1x125xi32, #tpu.memory_space<vmem>>
      %dma_start3A_161 = tpu.memref_squeeze %dma_start3A_160 : memref<1x125xi32, #tpu.memory_space<vmem>> -> memref<125xi32, #tpu.memory_space<vmem>>
      %dma_start3A_162 = arith.constant 0 : i32
      %dma_start3A_163 = arith.constant 0 : i32
      %dma_start3A_164 = tpu.memref_slice %arg6[%dma_start3A_162, %dma_start3A_163] : memref<10000x128xf32, #tpu.memory_space<vmem_shared>> -> memref<10000x128xf32, #tpu.memory_space<vmem_shared>>
      tpu.enqueue_indirect_dma source(%arg10 : memref<125x128xf32, #tpu.memory_space<vmem>>) target(%dma_start3A_164 : memref<10000x128xf32, #tpu.memory_space<vmem_shared>>) offsets(%dma_start3A_161 : memref<125xi32, #tpu.memory_space<vmem>>) semaphore(%arg14 : memref<!tpu.dma_semaphore, #tpu.memory_space<semaphore_mem>>) {add = true}
      %dma_wait3A_165 = arith.constant 0 : i32
      %dma_wait3A_166 = arith.constant 0 : i32
      %dma_wait3A_167 = tpu.memref_slice %arg8[%dma_wait3A_165, %dma_wait3A_166] : memref<40x125xi32, #tpu.memory_space<vmem>> -> memref<1x125xi32, #tpu.memory_space<vmem>>
      %dma_wait3A_168 = tpu.memref_squeeze %dma_wait3A_167 : memref<1x125xi32, #tpu.memory_space<vmem>> -> memref<125xi32, #tpu.memory_space<vmem>>
      %dma_wait3A_169 = arith.constant 0 : i32
      %dma_wait3A_170 = arith.constant 0 : i32
      %dma_wait3A_171 = tpu.memref_slice %arg6[%dma_wait3A_169, %dma_wait3A_170] : memref<10000x128xf32, #tpu.memory_space<vmem_shared>> -> memref<10000x128xf32, #tpu.memory_space<vmem_shared>>
      tpu.wait_indirect_dma semaphore(%arg13 : memref<!tpu.dma_semaphore, #tpu.memory_space<semaphore_mem>>) src(%arg9 : memref<125x128xf32, #tpu.memory_space<vmem>>) dst(%dma_wait3A_171 : memref<10000x128xf32, #tpu.memory_space<vmem_shared>>)
      %add3A_172 = arith.constant 1 : i32
      %add3A_173 = arith.addi %add3A_151, %add3A_172 : i32
      %dma_start3A_174 = arith.constant 0 : i32
      %dma_start3A_175 = tpu.memref_slice %arg7[%add3A_173, %dma_start3A_174] : memref<40x125xi32, #tpu.memory_space<vmem>> -> memref<1x125xi32, #tpu.memory_space<vmem>>
      %dma_start3A_176 = tpu.memref_squeeze %dma_start3A_175 : memref<1x125xi32, #tpu.memory_space<vmem>> -> memref<125xi32, #tpu.memory_space<vmem>>
      %dma_start3A_177 = arith.constant 0 : i32
      %dma_start3A_178 = arith.constant 0 : i32
      %dma_start3A_179 = tpu.memref_slice %arg2[%dma_start3A_177, %dma_start3A_178] : memref<10000x128xf32, #tpu.memory_space<hbm>> -> memref<10000x128xf32, #tpu.memory_space<hbm>>
      tpu.enqueue_indirect_dma source(%dma_start3A_179 : memref<10000x128xf32, #tpu.memory_space<hbm>>) target(%arg9 : memref<125x128xf32, #tpu.memory_space<vmem>>) offsets(%dma_start3A_176 : memref<125xi32, #tpu.memory_space<vmem>>) semaphore(%arg11 : memref<!tpu.dma_semaphore, #tpu.memory_space<semaphore_mem>>)
      %dma_wait3A_180 = arith.constant 0 : i32
      %dma_wait3A_181 = arith.constant 0 : i32
      %dma_wait3A_182 = tpu.memref_slice %arg7[%dma_wait3A_180, %dma_wait3A_181] : memref<40x125xi32, #tpu.memory_space<vmem>> -> memref<1x125xi32, #tpu.memory_space<vmem>>
      %dma_wait3A_183 = tpu.memref_squeeze %dma_wait3A_182 : memref<1x125xi32, #tpu.memory_space<vmem>> -> memref<125xi32, #tpu.memory_space<vmem>>
      %dma_wait3A_184 = arith.constant 0 : i32
      %dma_wait3A_185 = arith.constant 0 : i32
      %dma_wait3A_186 = tpu.memref_slice %arg2[%dma_wait3A_184, %dma_wait3A_185] : memref<10000x128xf32, #tpu.memory_space<hbm>> -> memref<10000x128xf32, #tpu.memory_space<hbm>>
      tpu.wait_indirect_dma semaphore(%arg11 : memref<!tpu.dma_semaphore, #tpu.memory_space<semaphore_mem>>) src(%dma_wait3A_186 : memref<10000x128xf32, #tpu.memory_space<hbm>>) dst(%arg9 : memref<125x128xf32, #tpu.memory_space<vmem>>)
      %add3A_187 = arith.constant 1 : i32
      %add3A_188 = arith.addi %add3A_151, %add3A_187 : i32
      %dma_start3A_189 = arith.constant 0 : i32
      %dma_start3A_190 = tpu.memref_slice %arg8[%add3A_188, %dma_start3A_189] : memref<40x125xi32, #tpu.memory_space<vmem>> -> memref<1x125xi32, #tpu.memory_space<vmem>>
      %dma_start3A_191 = tpu.memref_squeeze %dma_start3A_190 : memref<1x125xi32, #tpu.memory_space<vmem>> -> memref<125xi32, #tpu.memory_space<vmem>>
      %dma_start3A_192 = arith.constant 0 : i32
      %dma_start3A_193 = arith.constant 0 : i32
      %dma_start3A_194 = tpu.memref_slice %arg6[%dma_start3A_192, %dma_start3A_193] : memref<10000x128xf32, #tpu.memory_space<vmem_shared>> -> memref<10000x128xf32, #tpu.memory_space<vmem_shared>>
      tpu.enqueue_indirect_dma source(%arg9 : memref<125x128xf32, #tpu.memory_space<vmem>>) target(%dma_start3A_194 : memref<10000x128xf32, #tpu.memory_space<vmem_shared>>) offsets(%dma_start3A_191 : memref<125xi32, #tpu.memory_space<vmem>>) semaphore(%arg13 : memref<!tpu.dma_semaphore, #tpu.memory_space<semaphore_mem>>) {add = true}
      %dma_wait3A_195 = arith.constant 0 : i32
      %dma_wait3A_196 = arith.constant 0 : i32
      %dma_wait3A_197 = tpu.memref_slice %arg8[%dma_wait3A_195, %dma_wait3A_196] : memref<40x125xi32, #tpu.memory_space<vmem>> -> memref<1x125xi32, #tpu.memory_space<vmem>>
      %dma_wait3A_198 = tpu.memref_squeeze %dma_wait3A_197 : memref<1x125xi32, #tpu.memory_space<vmem>> -> memref<125xi32, #tpu.memory_space<vmem>>
      %dma_wait3A_199 = arith.constant 0 : i32
      %dma_wait3A_200 = arith.constant 0 : i32
      %dma_wait3A_201 = tpu.memref_slice %arg6[%dma_wait3A_199, %dma_wait3A_200] : memref<10000x128xf32, #tpu.memory_space<vmem_shared>> -> memref<10000x128xf32, #tpu.memory_space<vmem_shared>>
      tpu.wait_indirect_dma semaphore(%arg14 : memref<!tpu.dma_semaphore, #tpu.memory_space<semaphore_mem>>) src(%arg10 : memref<125x128xf32, #tpu.memory_space<vmem>>) dst(%dma_wait3A_201 : memref<10000x128xf32, #tpu.memory_space<vmem_shared>>)
      %add3A_202 = arith.constant 2 : i32
      %add3A_203 = arith.addi %add3A_151, %add3A_202 : i32
      %dma_start3A_204 = arith.constant 0 : i32
      %dma_start3A_205 = tpu.memref_slice %arg7[%add3A_203, %dma_start3A_204] : memref<40x125xi32, #tpu.memory_space<vmem>> -> memref<1x125xi32, #tpu.memory_space<vmem>>
      %dma_start3A_206 = tpu.memref_squeeze %dma_start3A_205 : memref<1x125xi32, #tpu.memory_space<vmem>> -> memref<125xi32, #tpu.memory_space<vmem>>
      %dma_start3A_207 = arith.constant 0 : i32
      %dma_start3A_208 = arith.constant 0 : i32
      %dma_start3A_209 = tpu.memref_slice %arg2[%dma_start3A_207, %dma_start3A_208] : memref<10000x128xf32, #tpu.memory_space<hbm>> -> memref<10000x128xf32, #tpu.memory_space<hbm>>
      tpu.enqueue_indirect_dma source(%dma_start3A_209 : memref<10000x128xf32, #tpu.memory_space<hbm>>) target(%arg10 : memref<125x128xf32, #tpu.memory_space<vmem>>) offsets(%dma_start3A_206 : memref<125xi32, #tpu.memory_space<vmem>>) semaphore(%arg12 : memref<!tpu.dma_semaphore, #tpu.memory_space<semaphore_mem>>)
    }
    %scan3A_50 = arith.constant 19 : i32
    %dma_wait3A_51 = arith.constant 0 : i32
    %dma_wait3A_52 = arith.constant 0 : i32
    %dma_wait3A_53 = tpu.memref_slice %arg7[%dma_wait3A_51, %dma_wait3A_52] : memref<40x125xi32, #tpu.memory_space<vmem>> -> memref<1x125xi32, #tpu.memory_space<vmem>>
    %dma_wait3A_54 = tpu.memref_squeeze %dma_wait3A_53 : memref<1x125xi32, #tpu.memory_space<vmem>> -> memref<125xi32, #tpu.memory_space<vmem>>
    %dma_wait3A_55 = arith.constant 0 : i32
    %dma_wait3A_56 = arith.constant 0 : i32
    %dma_wait3A_57 = tpu.memref_slice %arg2[%dma_wait3A_55, %dma_wait3A_56] : memref<10000x128xf32, #tpu.memory_space<hbm>> -> memref<10000x128xf32, #tpu.memory_space<hbm>>
    tpu.wait_indirect_dma semaphore(%arg12 : memref<!tpu.dma_semaphore, #tpu.memory_space<semaphore_mem>>) src(%dma_wait3A_57 : memref<10000x128xf32, #tpu.memory_space<hbm>>) dst(%arg10 : memref<125x128xf32, #tpu.memory_space<vmem>>)
    %dma_start3A_58 = arith.constant 39 : i32
    %dma_start3A_59 = arith.constant 0 : i32
    %dma_start3A_60 = tpu.memref_slice %arg8[%dma_start3A_58, %dma_start3A_59] : memref<40x125xi32, #tpu.memory_space<vmem>> -> memref<1x125xi32, #tpu.memory_space<vmem>>
    %dma_start3A_61 = tpu.memref_squeeze %dma_start3A_60 : memref<1x125xi32, #tpu.memory_space<vmem>> -> memref<125xi32, #tpu.memory_space<vmem>>
    %dma_start3A_62 = arith.constant 0 : i32
    %dma_start3A_63 = arith.constant 0 : i32
    %dma_start3A_64 = tpu.memref_slice %arg6[%dma_start3A_62, %dma_start3A_63] : memref<10000x128xf32, #tpu.memory_space<vmem_shared>> -> memref<10000x128xf32, #tpu.memory_space<vmem_shared>>
    tpu.enqueue_indirect_dma source(%arg10 : memref<125x128xf32, #tpu.memory_space<vmem>>) target(%dma_start3A_64 : memref<10000x128xf32, #tpu.memory_space<vmem_shared>>) offsets(%dma_start3A_61 : memref<125xi32, #tpu.memory_space<vmem>>) semaphore(%arg14 : memref<!tpu.dma_semaphore, #tpu.memory_space<semaphore_mem>>) {add = true}
    %dma_wait3A_65 = arith.constant 0 : i32
    %dma_wait3A_66 = arith.constant 0 : i32
    %dma_wait3A_67 = tpu.memref_slice %arg8[%dma_wait3A_65, %dma_wait3A_66] : memref<40x125xi32, #tpu.memory_space<vmem>> -> memref<1x125xi32, #tpu.memory_space<vmem>>
    %dma_wait3A_68 = tpu.memref_squeeze %dma_wait3A_67 : memref<1x125xi32, #tpu.memory_space<vmem>> -> memref<125xi32, #tpu.memory_space<vmem>>
    %dma_wait3A_69 = arith.constant 0 : i32
    %dma_wait3A_70 = arith.constant 0 : i32
    %dma_wait3A_71 = tpu.memref_slice %arg6[%dma_wait3A_69, %dma_wait3A_70] : memref<10000x128xf32, #tpu.memory_space<vmem_shared>> -> memref<10000x128xf32, #tpu.memory_space<vmem_shared>>
    tpu.wait_indirect_dma semaphore(%arg13 : memref<!tpu.dma_semaphore, #tpu.memory_space<semaphore_mem>>) src(%arg9 : memref<125x128xf32, #tpu.memory_space<vmem>>) dst(%dma_wait3A_71 : memref<10000x128xf32, #tpu.memory_space<vmem_shared>>)
    %dma_wait3A_72 = arith.constant 0 : i32
    %dma_wait3A_73 = arith.constant 0 : i32
    %dma_wait3A_74 = tpu.memref_slice %arg8[%dma_wait3A_72, %dma_wait3A_73] : memref<40x125xi32, #tpu.memory_space<vmem>> -> memref<1x125xi32, #tpu.memory_space<vmem>>
    %dma_wait3A_75 = tpu.memref_squeeze %dma_wait3A_74 : memref<1x125xi32, #tpu.memory_space<vmem>> -> memref<125xi32, #tpu.memory_space<vmem>>
    %dma_wait3A_76 = arith.constant 0 : i32
    %dma_wait3A_77 = arith.constant 0 : i32
    %dma_wait3A_78 = tpu.memref_slice %arg6[%dma_wait3A_76, %dma_wait3A_77] : memref<10000x128xf32, #tpu.memory_space<vmem_shared>> -> memref<10000x128xf32, #tpu.memory_space<vmem_shared>>
    tpu.wait_indirect_dma semaphore(%arg14 : memref<!tpu.dma_semaphore, #tpu.memory_space<semaphore_mem>>) src(%arg10 : memref<125x128xf32, #tpu.memory_space<vmem>>) dst(%dma_wait3A_78 : memref<10000x128xf32, #tpu.memory_space<vmem_shared>>)
    "tpu.region"() ({
      %run_scoped3A = tpu.sem_alloc : memref<!tpu.dma_semaphore, #tpu.memory_space<semaphore_mem>>
      %dma_start3A_147 = arith.constant 40 : i32
      %dma_start3A_148 = arith.constant 0 : i32
      %dma_start3A_149 = tpu.memref_slice %arg3[%add3A, %dma_start3A_147, %dma_start3A_148] : memref<32x80x125xi32, #tpu.memory_space<hbm>> -> memref<1x40x125xi32, #tpu.memory_space<hbm>>
      %dma_start3A_150 = tpu.memref_squeeze %dma_start3A_149 : memref<1x40x125xi32, #tpu.memory_space<hbm>> -> memref<40x125xi32, #tpu.memory_space<hbm>>
      %dma_start3A_151 = arith.constant 40 : i32
      %dma_start3A_152 = arith.constant 0 : i32
      %dma_start3A_153 = tpu.memref_slice %arg3[%add3A, %dma_start3A_151, %dma_start3A_152] : memref<32x80x125xi32, #tpu.memory_space<hbm>> -> memref<1x40x125xi32, #tpu.memory_space<hbm>>
      %dma_start3A_154 = tpu.memref_squeeze %dma_start3A_153 : memref<1x40x125xi32, #tpu.memory_space<hbm>> -> memref<40x125xi32, #tpu.memory_space<hbm>>
      tpu.enqueue_dma source(%dma_start3A_154 : memref<40x125xi32, #tpu.memory_space<hbm>>) target(%arg7 : memref<40x125xi32, #tpu.memory_space<vmem>>) target_semaphore(%run_scoped3A : memref<!tpu.dma_semaphore, #tpu.memory_space<semaphore_mem>>)
      %dma_wait3A_155 = arith.constant 40 : i32
      %dma_wait3A_156 = arith.constant 0 : i32
      %dma_wait3A_157 = tpu.memref_slice %arg3[%add3A, %dma_wait3A_155, %dma_wait3A_156] : memref<32x80x125xi32, #tpu.memory_space<hbm>> -> memref<1x40x125xi32, #tpu.memory_space<hbm>>
      %dma_wait3A_158 = tpu.memref_squeeze %dma_wait3A_157 : memref<1x40x125xi32, #tpu.memory_space<hbm>> -> memref<40x125xi32, #tpu.memory_space<hbm>>
      %dma_wait3A_159 = arith.constant 40 : i32
      %dma_wait3A_160 = arith.constant 0 : i32
      %dma_wait3A_161 = tpu.memref_slice %arg3[%add3A, %dma_wait3A_159, %dma_wait3A_160] : memref<32x80x125xi32, #tpu.memory_space<hbm>> -> memref<1x40x125xi32, #tpu.memory_space<hbm>>
      %dma_wait3A_162 = tpu.memref_squeeze %dma_wait3A_161 : memref<1x40x125xi32, #tpu.memory_space<hbm>> -> memref<40x125xi32, #tpu.memory_space<hbm>>
      tpu.wait_dma2 semaphore(%run_scoped3A : memref<!tpu.dma_semaphore, #tpu.memory_space<semaphore_mem>>) src(%dma_wait3A_162 : memref<40x125xi32, #tpu.memory_space<hbm>>) dst(%arg7 : memref<40x125xi32, #tpu.memory_space<vmem>>)
      tpu.yield
    }) : () -> ()
    "tpu.region"() ({
      %run_scoped3A = tpu.sem_alloc : memref<!tpu.dma_semaphore, #tpu.memory_space<semaphore_mem>>
      %dma_start3A_147 = arith.constant 40 : i32
      %dma_start3A_148 = arith.constant 0 : i32
      %dma_start3A_149 = tpu.memref_slice %arg4[%add3A, %dma_start3A_147, %dma_start3A_148] : memref<32x80x125xi32, #tpu.memory_space<hbm>> -> memref<1x40x125xi32, #tpu.memory_space<hbm>>
      %dma_start3A_150 = tpu.memref_squeeze %dma_start3A_149 : memref<1x40x125xi32, #tpu.memory_space<hbm>> -> memref<40x125xi32, #tpu.memory_space<hbm>>
      %dma_start3A_151 = arith.constant 40 : i32
      %dma_start3A_152 = arith.constant 0 : i32
      %dma_start3A_153 = tpu.memref_slice %arg4[%add3A, %dma_start3A_151, %dma_start3A_152] : memref<32x80x125xi32, #tpu.memory_space<hbm>> -> memref<1x40x125xi32, #tpu.memory_space<hbm>>
      %dma_start3A_154 = tpu.memref_squeeze %dma_start3A_153 : memref<1x40x125xi32, #tpu.memory_space<hbm>> -> memref<40x125xi32, #tpu.memory_space<hbm>>
      tpu.enqueue_dma source(%dma_start3A_154 : memref<40x125xi32, #tpu.memory_space<hbm>>) target(%arg8 : memref<40x125xi32, #tpu.memory_space<vmem>>) target_semaphore(%run_scoped3A : memref<!tpu.dma_semaphore, #tpu.memory_space<semaphore_mem>>)
      %dma_wait3A_155 = arith.constant 40 : i32
      %dma_wait3A_156 = arith.constant 0 : i32
      %dma_wait3A_157 = tpu.memref_slice %arg4[%add3A, %dma_wait3A_155, %dma_wait3A_156] : memref<32x80x125xi32, #tpu.memory_space<hbm>> -> memref<1x40x125xi32, #tpu.memory_space<hbm>>
      %dma_wait3A_158 = tpu.memref_squeeze %dma_wait3A_157 : memref<1x40x125xi32, #tpu.memory_space<hbm>> -> memref<40x125xi32, #tpu.memory_space<hbm>>
      %dma_wait3A_159 = arith.constant 40 : i32
      %dma_wait3A_160 = arith.constant 0 : i32
      %dma_wait3A_161 = tpu.memref_slice %arg4[%add3A, %dma_wait3A_159, %dma_wait3A_160] : memref<32x80x125xi32, #tpu.memory_space<hbm>> -> memref<1x40x125xi32, #tpu.memory_space<hbm>>
      %dma_wait3A_162 = tpu.memref_squeeze %dma_wait3A_161 : memref<1x40x125xi32, #tpu.memory_space<hbm>> -> memref<40x125xi32, #tpu.memory_space<hbm>>
      tpu.wait_dma2 semaphore(%run_scoped3A : memref<!tpu.dma_semaphore, #tpu.memory_space<semaphore_mem>>) src(%dma_wait3A_162 : memref<40x125xi32, #tpu.memory_space<hbm>>) dst(%arg8 : memref<40x125xi32, #tpu.memory_space<vmem>>)
      tpu.yield
    }) : () -> ()
    %dma_start3A_79 = arith.constant 0 : i32
    %dma_start3A_80 = arith.constant 0 : i32
    %dma_start3A_81 = tpu.memref_slice %arg7[%dma_start3A_79, %dma_start3A_80] : memref<40x125xi32, #tpu.memory_space<vmem>> -> memref<1x125xi32, #tpu.memory_space<vmem>>
    %dma_start3A_82 = tpu.memref_squeeze %dma_start3A_81 : memref<1x125xi32, #tpu.memory_space<vmem>> -> memref<125xi32, #tpu.memory_space<vmem>>
    %dma_start3A_83 = arith.constant 0 : i32
    %dma_start3A_84 = arith.constant 0 : i32
    %dma_start3A_85 = tpu.memref_slice %arg2[%dma_start3A_83, %dma_start3A_84] : memref<10000x128xf32, #tpu.memory_space<hbm>> -> memref<10000x128xf32, #tpu.memory_space<hbm>>
    tpu.enqueue_indirect_dma source(%dma_start3A_85 : memref<10000x128xf32, #tpu.memory_space<hbm>>) target(%arg9 : memref<125x128xf32, #tpu.memory_space<vmem>>) offsets(%dma_start3A_82 : memref<125xi32, #tpu.memory_space<vmem>>) semaphore(%arg11 : memref<!tpu.dma_semaphore, #tpu.memory_space<semaphore_mem>>)
    %dma_wait3A_86 = arith.constant 0 : i32
    %dma_wait3A_87 = arith.constant 0 : i32
    %dma_wait3A_88 = tpu.memref_slice %arg7[%dma_wait3A_86, %dma_wait3A_87] : memref<40x125xi32, #tpu.memory_space<vmem>> -> memref<1x125xi32, #tpu.memory_space<vmem>>
    %dma_wait3A_89 = tpu.memref_squeeze %dma_wait3A_88 : memref<1x125xi32, #tpu.memory_space<vmem>> -> memref<125xi32, #tpu.memory_space<vmem>>
    %dma_wait3A_90 = arith.constant 0 : i32
    %dma_wait3A_91 = arith.constant 0 : i32
    %dma_wait3A_92 = tpu.memref_slice %arg2[%dma_wait3A_90, %dma_wait3A_91] : memref<10000x128xf32, #tpu.memory_space<hbm>> -> memref<10000x128xf32, #tpu.memory_space<hbm>>
    tpu.wait_indirect_dma semaphore(%arg11 : memref<!tpu.dma_semaphore, #tpu.memory_space<semaphore_mem>>) src(%dma_wait3A_92 : memref<10000x128xf32, #tpu.memory_space<hbm>>) dst(%arg9 : memref<125x128xf32, #tpu.memory_space<vmem>>)
    %dma_start3A_93 = arith.constant 0 : i32
    %dma_start3A_94 = arith.constant 0 : i32
    %dma_start3A_95 = tpu.memref_slice %arg8[%dma_start3A_93, %dma_start3A_94] : memref<40x125xi32, #tpu.memory_space<vmem>> -> memref<1x125xi32, #tpu.memory_space<vmem>>
    %dma_start3A_96 = tpu.memref_squeeze %dma_start3A_95 : memref<1x125xi32, #tpu.memory_space<vmem>> -> memref<125xi32, #tpu.memory_space<vmem>>
    %dma_start3A_97 = arith.constant 0 : i32
    %dma_start3A_98 = arith.constant 0 : i32
    %dma_start3A_99 = tpu.memref_slice %arg6[%dma_start3A_97, %dma_start3A_98] : memref<10000x128xf32, #tpu.memory_space<vmem_shared>> -> memref<10000x128xf32, #tpu.memory_space<vmem_shared>>
    tpu.enqueue_indirect_dma source(%arg9 : memref<125x128xf32, #tpu.memory_space<vmem>>) target(%dma_start3A_99 : memref<10000x128xf32, #tpu.memory_space<vmem_shared>>) offsets(%dma_start3A_96 : memref<125xi32, #tpu.memory_space<vmem>>) semaphore(%arg13 : memref<!tpu.dma_semaphore, #tpu.memory_space<semaphore_mem>>) {add = true}
    %dma_start3A_100 = arith.constant 1 : i32
    %dma_start3A_101 = arith.constant 0 : i32
    %dma_start3A_102 = tpu.memref_slice %arg7[%dma_start3A_100, %dma_start3A_101] : memref<40x125xi32, #tpu.memory_space<vmem>> -> memref<1x125xi32, #tpu.memory_space<vmem>>
    %dma_start3A_103 = tpu.memref_squeeze %dma_start3A_102 : memref<1x125xi32, #tpu.memory_space<vmem>> -> memref<125xi32, #tpu.memory_space<vmem>>
    %dma_start3A_104 = arith.constant 0 : i32
    %dma_start3A_105 = arith.constant 0 : i32
    %dma_start3A_106 = tpu.memref_slice %arg2[%dma_start3A_104, %dma_start3A_105] : memref<10000x128xf32, #tpu.memory_space<hbm>> -> memref<10000x128xf32, #tpu.memory_space<hbm>>
    tpu.enqueue_indirect_dma source(%dma_start3A_106 : memref<10000x128xf32, #tpu.memory_space<hbm>>) target(%arg10 : memref<125x128xf32, #tpu.memory_space<vmem>>) offsets(%dma_start3A_103 : memref<125xi32, #tpu.memory_space<vmem>>) semaphore(%arg12 : memref<!tpu.dma_semaphore, #tpu.memory_space<semaphore_mem>>)
    %scan3A_107 = arith.constant 0 : i32
    %scan3A_108 = arith.constant 0 : i32
    %scan3A_109 = arith.constant 19 : i32
    %scan3A_110 = arith.addi %scan3A_108, %scan3A_109 : i32
    %scan3A_111 = arith.constant 1 : i32
    scf.for %scan3A_147 = %scan3A_108 to %scan3A_110 step %scan3A_111  : i32 {
      %mul3A_148 = arith.constant 2 : i32
      %mul3A_149 = arith.muli %mul3A_148, %scan3A_147 : i32
      %add3A_150 = arith.constant 1 : i32
      %add3A_151 = arith.addi %mul3A_149, %add3A_150 : i32
      %dma_wait3A_152 = arith.constant 0 : i32
      %dma_wait3A_153 = arith.constant 0 : i32
      %dma_wait3A_154 = tpu.memref_slice %arg7[%dma_wait3A_152, %dma_wait3A_153] : memref<40x125xi32, #tpu.memory_space<vmem>> -> memref<1x125xi32, #tpu.memory_space<vmem>>
      %dma_wait3A_155 = tpu.memref_squeeze %dma_wait3A_154 : memref<1x125xi32, #tpu.memory_space<vmem>> -> memref<125xi32, #tpu.memory_space<vmem>>
      %dma_wait3A_156 = arith.constant 0 : i32
      %dma_wait3A_157 = arith.constant 0 : i32
      %dma_wait3A_158 = tpu.memref_slice %arg2[%dma_wait3A_156, %dma_wait3A_157] : memref<10000x128xf32, #tpu.memory_space<hbm>> -> memref<10000x128xf32, #tpu.memory_space<hbm>>
      tpu.wait_indirect_dma semaphore(%arg12 : memref<!tpu.dma_semaphore, #tpu.memory_space<semaphore_mem>>) src(%dma_wait3A_158 : memref<10000x128xf32, #tpu.memory_space<hbm>>) dst(%arg10 : memref<125x128xf32, #tpu.memory_space<vmem>>)
      %dma_start3A_159 = arith.constant 0 : i32
      %dma_start3A_160 = tpu.memref_slice %arg8[%add3A_151, %dma_start3A_159] : memref<40x125xi32, #tpu.memory_space<vmem>> -> memref<1x125xi32, #tpu.memory_space<vmem>>
      %dma_start3A_161 = tpu.memref_squeeze %dma_start3A_160 : memref<1x125xi32, #tpu.memory_space<vmem>> -> memref<125xi32, #tpu.memory_space<vmem>>
      %dma_start3A_162 = arith.constant 0 : i32
      %dma_start3A_163 = arith.constant 0 : i32
      %dma_start3A_164 = tpu.memref_slice %arg6[%dma_start3A_162, %dma_start3A_163] : memref<10000x128xf32, #tpu.memory_space<vmem_shared>> -> memref<10000x128xf32, #tpu.memory_space<vmem_shared>>
      tpu.enqueue_indirect_dma source(%arg10 : memref<125x128xf32, #tpu.memory_space<vmem>>) target(%dma_start3A_164 : memref<10000x128xf32, #tpu.memory_space<vmem_shared>>) offsets(%dma_start3A_161 : memref<125xi32, #tpu.memory_space<vmem>>) semaphore(%arg14 : memref<!tpu.dma_semaphore, #tpu.memory_space<semaphore_mem>>) {add = true}
      %dma_wait3A_165 = arith.constant 0 : i32
      %dma_wait3A_166 = arith.constant 0 : i32
      %dma_wait3A_167 = tpu.memref_slice %arg8[%dma_wait3A_165, %dma_wait3A_166] : memref<40x125xi32, #tpu.memory_space<vmem>> -> memref<1x125xi32, #tpu.memory_space<vmem>>
      %dma_wait3A_168 = tpu.memref_squeeze %dma_wait3A_167 : memref<1x125xi32, #tpu.memory_space<vmem>> -> memref<125xi32, #tpu.memory_space<vmem>>
      %dma_wait3A_169 = arith.constant 0 : i32
      %dma_wait3A_170 = arith.constant 0 : i32
      %dma_wait3A_171 = tpu.memref_slice %arg6[%dma_wait3A_169, %dma_wait3A_170] : memref<10000x128xf32, #tpu.memory_space<vmem_shared>> -> memref<10000x128xf32, #tpu.memory_space<vmem_shared>>
      tpu.wait_indirect_dma semaphore(%arg13 : memref<!tpu.dma_semaphore, #tpu.memory_space<semaphore_mem>>) src(%arg9 : memref<125x128xf32, #tpu.memory_space<vmem>>) dst(%dma_wait3A_171 : memref<10000x128xf32, #tpu.memory_space<vmem_shared>>)
      %add3A_172 = arith.constant 1 : i32
      %add3A_173 = arith.addi %add3A_151, %add3A_172 : i32
      %dma_start3A_174 = arith.constant 0 : i32
      %dma_start3A_175 = tpu.memref_slice %arg7[%add3A_173, %dma_start3A_174] : memref<40x125xi32, #tpu.memory_space<vmem>> -> memref<1x125xi32, #tpu.memory_space<vmem>>
      %dma_start3A_176 = tpu.memref_squeeze %dma_start3A_175 : memref<1x125xi32, #tpu.memory_space<vmem>> -> memref<125xi32, #tpu.memory_space<vmem>>
      %dma_start3A_177 = arith.constant 0 : i32
      %dma_start3A_178 = arith.constant 0 : i32
      %dma_start3A_179 = tpu.memref_slice %arg2[%dma_start3A_177, %dma_start3A_178] : memref<10000x128xf32, #tpu.memory_space<hbm>> -> memref<10000x128xf32, #tpu.memory_space<hbm>>
      tpu.enqueue_indirect_dma source(%dma_start3A_179 : memref<10000x128xf32, #tpu.memory_space<hbm>>) target(%arg9 : memref<125x128xf32, #tpu.memory_space<vmem>>) offsets(%dma_start3A_176 : memref<125xi32, #tpu.memory_space<vmem>>) semaphore(%arg11 : memref<!tpu.dma_semaphore, #tpu.memory_space<semaphore_mem>>)
      %dma_wait3A_180 = arith.constant 0 : i32
      %dma_wait3A_181 = arith.constant 0 : i32
      %dma_wait3A_182 = tpu.memref_slice %arg7[%dma_wait3A_180, %dma_wait3A_181] : memref<40x125xi32, #tpu.memory_space<vmem>> -> memref<1x125xi32, #tpu.memory_space<vmem>>
      %dma_wait3A_183 = tpu.memref_squeeze %dma_wait3A_182 : memref<1x125xi32, #tpu.memory_space<vmem>> -> memref<125xi32, #tpu.memory_space<vmem>>
      %dma_wait3A_184 = arith.constant 0 : i32
      %dma_wait3A_185 = arith.constant 0 : i32
      %dma_wait3A_186 = tpu.memref_slice %arg2[%dma_wait3A_184, %dma_wait3A_185] : memref<10000x128xf32, #tpu.memory_space<hbm>> -> memref<10000x128xf32, #tpu.memory_space<hbm>>
      tpu.wait_indirect_dma semaphore(%arg11 : memref<!tpu.dma_semaphore, #tpu.memory_space<semaphore_mem>>) src(%dma_wait3A_186 : memref<10000x128xf32, #tpu.memory_space<hbm>>) dst(%arg9 : memref<125x128xf32, #tpu.memory_space<vmem>>)
      %add3A_187 = arith.constant 1 : i32
      %add3A_188 = arith.addi %add3A_151, %add3A_187 : i32
      %dma_start3A_189 = arith.constant 0 : i32
      %dma_start3A_190 = tpu.memref_slice %arg8[%add3A_188, %dma_start3A_189] : memref<40x125xi32, #tpu.memory_space<vmem>> -> memref<1x125xi32, #tpu.memory_space<vmem>>
      %dma_start3A_191 = tpu.memref_squeeze %dma_start3A_190 : memref<1x125xi32, #tpu.memory_space<vmem>> -> memref<125xi32, #tpu.memory_space<vmem>>
      %dma_start3A_192 = arith.constant 0 : i32
      %dma_start3A_193 = arith.constant 0 : i32
      %dma_start3A_194 = tpu.memref_slice %arg6[%dma_start3A_192, %dma_start3A_193] : memref<10000x128xf32, #tpu.memory_space<vmem_shared>> -> memref<10000x128xf32, #tpu.memory_space<vmem_shared>>
      tpu.enqueue_indirect_dma source(%arg9 : memref<125x128xf32, #tpu.memory_space<vmem>>) target(%dma_start3A_194 : memref<10000x128xf32, #tpu.memory_space<vmem_shared>>) offsets(%dma_start3A_191 : memref<125xi32, #tpu.memory_space<vmem>>) semaphore(%arg13 : memref<!tpu.dma_semaphore, #tpu.memory_space<semaphore_mem>>) {add = true}
      %dma_wait3A_195 = arith.constant 0 : i32
      %dma_wait3A_196 = arith.constant 0 : i32
      %dma_wait3A_197 = tpu.memref_slice %arg8[%dma_wait3A_195, %dma_wait3A_196] : memref<40x125xi32, #tpu.memory_space<vmem>> -> memref<1x125xi32, #tpu.memory_space<vmem>>
      %dma_wait3A_198 = tpu.memref_squeeze %dma_wait3A_197 : memref<1x125xi32, #tpu.memory_space<vmem>> -> memref<125xi32, #tpu.memory_space<vmem>>
      %dma_wait3A_199 = arith.constant 0 : i32
      %dma_wait3A_200 = arith.constant 0 : i32
      %dma_wait3A_201 = tpu.memref_slice %arg6[%dma_wait3A_199, %dma_wait3A_200] : memref<10000x128xf32, #tpu.memory_space<vmem_shared>> -> memref<10000x128xf32, #tpu.memory_space<vmem_shared>>
      tpu.wait_indirect_dma semaphore(%arg14 : memref<!tpu.dma_semaphore, #tpu.memory_space<semaphore_mem>>) src(%arg10 : memref<125x128xf32, #tpu.memory_space<vmem>>) dst(%dma_wait3A_201 : memref<10000x128xf32, #tpu.memory_space<vmem_shared>>)
      %add3A_202 = arith.constant 2 : i32
      %add3A_203 = arith.addi %add3A_151, %add3A_202 : i32
      %dma_start3A_204 = arith.constant 0 : i32
      %dma_start3A_205 = tpu.memref_slice %arg7[%add3A_203, %dma_start3A_204] : memref<40x125xi32, #tpu.memory_space<vmem>> -> memref<1x125xi32, #tpu.memory_space<vmem>>
      %dma_start3A_206 = tpu.memref_squeeze %dma_start3A_205 : memref<1x125xi32, #tpu.memory_space<vmem>> -> memref<125xi32, #tpu.memory_space<vmem>>
      %dma_start3A_207 = arith.constant 0 : i32
      %dma_start3A_208 = arith.constant 0 : i32
      %dma_start3A_209 = tpu.memref_slice %arg2[%dma_start3A_207, %dma_start3A_208] : memref<10000x128xf32, #tpu.memory_space<hbm>> -> memref<10000x128xf32, #tpu.memory_space<hbm>>
      tpu.enqueue_indirect_dma source(%dma_start3A_209 : memref<10000x128xf32, #tpu.memory_space<hbm>>) target(%arg10 : memref<125x128xf32, #tpu.memory_space<vmem>>) offsets(%dma_start3A_206 : memref<125xi32, #tpu.memory_space<vmem>>) semaphore(%arg12 : memref<!tpu.dma_semaphore, #tpu.memory_space<semaphore_mem>>)
    }
    %scan3A_112 = arith.constant 19 : i32
    %dma_wait3A_113 = arith.constant 0 : i32
    %dma_wait3A_114 = arith.constant 0 : i32
    %dma_wait3A_115 = tpu.memref_slice %arg7[%dma_wait3A_113, %dma_wait3A_114] : memref<40x125xi32, #tpu.memory_space<vmem>> -> memref<1x125xi32, #tpu.memory_space<vmem>>
    %dma_wait3A_116 = tpu.memref_squeeze %dma_wait3A_115 : memref<1x125xi32, #tpu.memory_space<vmem>> -> memref<125xi32, #tpu.memory_space<vmem>>
    %dma_wait3A_117 = arith.constant 0 : i32
    %dma_wait3A_118 = arith.constant 0 : i32
    %dma_wait3A_119 = tpu.memref_slice %arg2[%dma_wait3A_117, %dma_wait3A_118] : memref<10000x128xf32, #tpu.memory_space<hbm>> -> memref<10000x128xf32, #tpu.memory_space<hbm>>
    tpu.wait_indirect_dma semaphore(%arg12 : memref<!tpu.dma_semaphore, #tpu.memory_space<semaphore_mem>>) src(%dma_wait3A_119 : memref<10000x128xf32, #tpu.memory_space<hbm>>) dst(%arg10 : memref<125x128xf32, #tpu.memory_space<vmem>>)
    %dma_start3A_120 = arith.constant 39 : i32
    %dma_start3A_121 = arith.constant 0 : i32
    %dma_start3A_122 = tpu.memref_slice %arg8[%dma_start3A_120, %dma_start3A_121] : memref<40x125xi32, #tpu.memory_space<vmem>> -> memref<1x125xi32, #tpu.memory_space<vmem>>
    %dma_start3A_123 = tpu.memref_squeeze %dma_start3A_122 : memref<1x125xi32, #tpu.memory_space<vmem>> -> memref<125xi32, #tpu.memory_space<vmem>>
    %dma_start3A_124 = arith.constant 0 : i32
    %dma_start3A_125 = arith.constant 0 : i32
    %dma_start3A_126 = tpu.memref_slice %arg6[%dma_start3A_124, %dma_start3A_125] : memref<10000x128xf32, #tpu.memory_space<vmem_shared>> -> memref<10000x128xf32, #tpu.memory_space<vmem_shared>>
    tpu.enqueue_indirect_dma source(%arg10 : memref<125x128xf32, #tpu.memory_space<vmem>>) target(%dma_start3A_126 : memref<10000x128xf32, #tpu.memory_space<vmem_shared>>) offsets(%dma_start3A_123 : memref<125xi32, #tpu.memory_space<vmem>>) semaphore(%arg14 : memref<!tpu.dma_semaphore, #tpu.memory_space<semaphore_mem>>) {add = true}
    %dma_wait3A_127 = arith.constant 0 : i32
    %dma_wait3A_128 = arith.constant 0 : i32
    %dma_wait3A_129 = tpu.memref_slice %arg8[%dma_wait3A_127, %dma_wait3A_128] : memref<40x125xi32, #tpu.memory_space<vmem>> -> memref<1x125xi32, #tpu.memory_space<vmem>>
    %dma_wait3A_130 = tpu.memref_squeeze %dma_wait3A_129 : memref<1x125xi32, #tpu.memory_space<vmem>> -> memref<125xi32, #tpu.memory_space<vmem>>
    %dma_wait3A_131 = arith.constant 0 : i32
    %dma_wait3A_132 = arith.constant 0 : i32
    %dma_wait3A_133 = tpu.memref_slice %arg6[%dma_wait3A_131, %dma_wait3A_132] : memref<10000x128xf32, #tpu.memory_space<vmem_shared>> -> memref<10000x128xf32, #tpu.memory_space<vmem_shared>>
    tpu.wait_indirect_dma semaphore(%arg13 : memref<!tpu.dma_semaphore, #tpu.memory_space<semaphore_mem>>) src(%arg9 : memref<125x128xf32, #tpu.memory_space<vmem>>) dst(%dma_wait3A_133 : memref<10000x128xf32, #tpu.memory_space<vmem_shared>>)
    %dma_wait3A_134 = arith.constant 0 : i32
    %dma_wait3A_135 = arith.constant 0 : i32
    %dma_wait3A_136 = tpu.memref_slice %arg8[%dma_wait3A_134, %dma_wait3A_135] : memref<40x125xi32, #tpu.memory_space<vmem>> -> memref<1x125xi32, #tpu.memory_space<vmem>>
    %dma_wait3A_137 = tpu.memref_squeeze %dma_wait3A_136 : memref<1x125xi32, #tpu.memory_space<vmem>> -> memref<125xi32, #tpu.memory_space<vmem>>
    %dma_wait3A_138 = arith.constant 0 : i32
    %dma_wait3A_139 = arith.constant 0 : i32
    %dma_wait3A_140 = tpu.memref_slice %arg6[%dma_wait3A_138, %dma_wait3A_139] : memref<10000x128xf32, #tpu.memory_space<vmem_shared>> -> memref<10000x128xf32, #tpu.memory_space<vmem_shared>>
    tpu.wait_indirect_dma semaphore(%arg14 : memref<!tpu.dma_semaphore, #tpu.memory_space<semaphore_mem>>) src(%arg10 : memref<125x128xf32, #tpu.memory_space<vmem>>) dst(%dma_wait3A_140 : memref<10000x128xf32, #tpu.memory_space<vmem_shared>>)
    %barrier3A_141 = arith.constant 0 : index
    tpu.barrier barrier_id(%barrier3A_141)
    "tpu.region"() ({
      %run_scoped3A = tpu.sem_alloc : memref<!tpu.dma_semaphore, #tpu.memory_space<semaphore_mem>>
      %dma_start3A_147 = arith.constant 0 : i32
      %dma_start3A_148 = tpu.memref_slice %arg5[%arg0, %mul3A_8, %dma_start3A_147] : memref<2x10000x128xf32, #tpu.memory_space<hbm>> -> memref<1x624x128xf32, #tpu.memory_space<hbm>>
      %dma_start3A_149 = tpu.memref_squeeze %dma_start3A_148 : memref<1x624x128xf32, #tpu.memory_space<hbm>> -> memref<624x128xf32, #tpu.memory_space<hbm>>
      %dma_start3A_150 = arith.constant 0 : i32
      %dma_start3A_151 = tpu.memref_slice %arg6[%mul3A_8, %dma_start3A_150] : memref<10000x128xf32, #tpu.memory_space<vmem_shared>> -> memref<624x128xf32, #tpu.memory_space<vmem_shared>>
      tpu.enqueue_dma source(%dma_start3A_151 : memref<624x128xf32, #tpu.memory_space<vmem_shared>>) target(%dma_start3A_149 : memref<624x128xf32, #tpu.memory_space<hbm>>) target_semaphore(%run_scoped3A : memref<!tpu.dma_semaphore, #tpu.memory_space<semaphore_mem>>)
      %dma_wait3A_152 = arith.constant 0 : i32
      %dma_wait3A_153 = tpu.memref_slice %arg5[%arg0, %mul3A_8, %dma_wait3A_152] : memref<2x10000x128xf32, #tpu.memory_space<hbm>> -> memref<1x624x128xf32, #tpu.memory_space<hbm>>
      %dma_wait3A_154 = tpu.memref_squeeze %dma_wait3A_153 : memref<1x624x128xf32, #tpu.memory_space<hbm>> -> memref<624x128xf32, #tpu.memory_space<hbm>>
      %dma_wait3A_155 = arith.constant 0 : i32
      %dma_wait3A_156 = tpu.memref_slice %arg6[%mul3A_8, %dma_wait3A_155] : memref<10000x128xf32, #tpu.memory_space<vmem_shared>> -> memref<624x128xf32, #tpu.memory_space<vmem_shared>>
      tpu.wait_dma2 semaphore(%run_scoped3A : memref<!tpu.dma_semaphore, #tpu.memory_space<semaphore_mem>>) src(%dma_wait3A_156 : memref<624x128xf32, #tpu.memory_space<vmem_shared>>) dst(%dma_wait3A_154 : memref<624x128xf32, #tpu.memory_space<hbm>>)
      tpu.yield
    }) : () -> ()
    %eq3A_142 = arith.constant 15 : i32
    %eq3A_143 = arith.cmpi eq, %arg1, %eq3A_142 : i32
    %convert_element_type3A_144 = arith.extui %eq3A_143 : i1 to i32
    %cond3A_145 = arith.constant 0 : i32
    %cond3A_146 = arith.cmpi ne, %convert_element_type3A_144, %cond3A_145 : i32
    scf.if %cond3A_146 {
      "tpu.region"() ({
        %run_scoped3A = tpu.sem_alloc : memref<!tpu.dma_semaphore, #tpu.memory_space<semaphore_mem>>
        %dma_start3A_147 = arith.constant 9984 : i32
        %dma_start3A_148 = arith.constant 0 : i32
        %dma_start3A_149 = tpu.memref_slice %arg5[%arg0, %dma_start3A_147, %dma_start3A_148] : memref<2x10000x128xf32, #tpu.memory_space<hbm>> -> memref<1x16x128xf32, #tpu.memory_space<hbm>>
        %dma_start3A_150 = tpu.memref_squeeze %dma_start3A_149 : memref<1x16x128xf32, #tpu.memory_space<hbm>> -> memref<16x128xf32, #tpu.memory_space<hbm>>
        %dma_start3A_151 = arith.constant 9984 : i32
        %dma_start3A_152 = arith.constant 0 : i32
        %dma_start3A_153 = tpu.memref_slice %arg6[%dma_start3A_151, %dma_start3A_152] : memref<10000x128xf32, #tpu.memory_space<vmem_shared>> -> memref<16x128xf32, #tpu.memory_space<vmem_shared>>
        tpu.enqueue_dma source(%dma_start3A_153 : memref<16x128xf32, #tpu.memory_space<vmem_shared>>) target(%dma_start3A_150 : memref<16x128xf32, #tpu.memory_space<hbm>>) target_semaphore(%run_scoped3A : memref<!tpu.dma_semaphore, #tpu.memory_space<semaphore_mem>>)
        %dma_wait3A_154 = arith.constant 9984 : i32
        %dma_wait3A_155 = arith.constant 0 : i32
        %dma_wait3A_156 = tpu.memref_slice %arg5[%arg0, %dma_wait3A_154, %dma_wait3A_155] : memref<2x10000x128xf32, #tpu.memory_space<hbm>> -> memref<1x16x128xf32, #tpu.memory_space<hbm>>
        %dma_wait3A_157 = tpu.memref_squeeze %dma_wait3A_156 : memref<1x16x128xf32, #tpu.memory_space<hbm>> -> memref<16x128xf32, #tpu.memory_space<hbm>>
        %dma_wait3A_158 = arith.constant 9984 : i32
        %dma_wait3A_159 = arith.constant 0 : i32
        %dma_wait3A_160 = tpu.memref_slice %arg6[%dma_wait3A_158, %dma_wait3A_159] : memref<10000x128xf32, #tpu.memory_space<vmem_shared>> -> memref<16x128xf32, #tpu.memory_space<vmem_shared>>
        tpu.wait_dma2 semaphore(%run_scoped3A : memref<!tpu.dma_semaphore, #tpu.memory_space<semaphore_mem>>) src(%dma_wait3A_160 : memref<16x128xf32, #tpu.memory_space<vmem_shared>>) dst(%dma_wait3A_157 : memref<16x128xf32, #tpu.memory_space<hbm>>)
        tpu.yield
      }) : () -> ()
    } else {
    }
    return
  }
}

module attributes {stable_mosaic.version = 14 : i64} {
  func.func @_mlp_body(%arg0: i32, %arg1: memref<2x1000x128xf32, #tpu.memory_space<vmem>>, %arg2: memref<1000x128xf32, #tpu.memory_space<vmem>>, %arg3: memref<128x128xf32, #tpu.memory_space<vmem>>, %arg4: memref<128x128xf32, #tpu.memory_space<vmem>>, %arg5: memref<1x128xf32, #tpu.memory_space<vmem>>, %arg6: memref<128x128xf32, #tpu.memory_space<vmem>>, %arg7: memref<1x128xf32, #tpu.memory_space<vmem>>, %arg8: memref<128x128xf32, #tpu.memory_space<vmem>>, %arg9: memref<1x128xf32, #tpu.memory_space<vmem>>, %arg10: memref<1000x128xf32, #tpu.memory_space<vmem>>) attributes {dimension_semantics = [#tpu.dimension_semantics<arbitrary>], iteration_bounds = array<i64: 10>, scalar_prefetch = 0 : i64, scratch_operands = 0 : i64, tpu.core_type = #tpu.core_type<tc>, window_params = [{transform_indices = @transform_0, window_bounds = array<i64: 2, 1000, 128>}, {transform_indices = @transform_1, window_bounds = array<i64: 1000, 128>}, {pipeline_mode = #tpu.pipeline_mode<synchronous>, transform_indices = @transform_2, window_bounds = array<i64: 128, 128>}, {pipeline_mode = #tpu.pipeline_mode<synchronous>, transform_indices = @transform_3, window_bounds = array<i64: 128, 128>}, {pipeline_mode = #tpu.pipeline_mode<synchronous>, transform_indices = @transform_4, window_bounds = array<i64: 1, 128>}, {pipeline_mode = #tpu.pipeline_mode<synchronous>, transform_indices = @transform_5, window_bounds = array<i64: 128, 128>}, {pipeline_mode = #tpu.pipeline_mode<synchronous>, transform_indices = @transform_6, window_bounds = array<i64: 1, 128>}, {pipeline_mode = #tpu.pipeline_mode<synchronous>, transform_indices = @transform_7, window_bounds = array<i64: 128, 128>}, {pipeline_mode = #tpu.pipeline_mode<synchronous>, transform_indices = @transform_8, window_bounds = array<i64: 1, 128>}, {transform_indices = @transform_9, window_bounds = array<i64: 1000, 128>}]} {
    %get3A = arith.constant 0 : index
    %get3A_0 = arith.constant 0 : index
    %get3A_1 = arith.constant 0 : index
    %get3A_2 = vector.load %arg1[%get3A, %get3A_0, %get3A_1] : memref<2x1000x128xf32, #tpu.memory_space<vmem>>, vector<1x1000x128xf32>
    %get3A_3 = vector.shape_cast %get3A_2 : vector<1x1000x128xf32> to vector<1000x128xf32>
    %get3A_4 = arith.constant 1 : index
    %get3A_5 = arith.constant 0 : index
    %get3A_6 = arith.constant 0 : index
    %get3A_7 = vector.load %arg1[%get3A_4, %get3A_5, %get3A_6] : memref<2x1000x128xf32, #tpu.memory_space<vmem>>, vector<1x1000x128xf32>
    %get3A_8 = vector.shape_cast %get3A_7 : vector<1x1000x128xf32> to vector<1000x128xf32>
    %add3A = arith.addf %get3A_3, %get3A_8 : vector<1000x128xf32>
    %get3A_9 = arith.constant 0 : index
    %get3A_10 = arith.constant 0 : index
    %get3A_11 = vector.load %arg3[%get3A_9, %get3A_10] : memref<128x128xf32, #tpu.memory_space<vmem>>, vector<128x128xf32>
    %dot_general3A = arith.constant dense<0.000000e+00> : vector<1000x128xf32>
    %dot_general3A_12 = tpu.matmul %add3A, %get3A_11, %dot_general3A {dimension_numbers = #tpu.dot_dimension_numbers<[1], [0], [0], [1], [0, 0, 1, 1], [], []>, transpose_lhs_hint = false} : vector<1000x128xf32>, vector<128x128xf32>, vector<1000x128xf32> -> vector<1000x128xf32>
    %get3A_13 = arith.constant 0 : index
    %get3A_14 = arith.constant 0 : index
    %get3A_15 = vector.load %arg2[%get3A_13, %get3A_14] : memref<1000x128xf32, #tpu.memory_space<vmem>>, vector<1000x128xf32>
    %get3A_16 = arith.constant 0 : index
    %get3A_17 = arith.constant 0 : index
    %get3A_18 = vector.load %arg4[%get3A_16, %get3A_17] : memref<128x128xf32, #tpu.memory_space<vmem>>, vector<128x128xf32>
    %dot_general3A_19 = arith.constant dense<0.000000e+00> : vector<1000x128xf32>
    %dot_general3A_20 = tpu.matmul %get3A_15, %get3A_18, %dot_general3A_19 {dimension_numbers = #tpu.dot_dimension_numbers<[1], [0], [0], [1], [0, 0, 1, 1], [], []>, transpose_lhs_hint = false} : vector<1000x128xf32>, vector<128x128xf32>, vector<1000x128xf32> -> vector<1000x128xf32>
    %add3A_21 = arith.addf %dot_general3A_12, %dot_general3A_20 : vector<1000x128xf32>
    %get3A_22 = arith.constant 0 : index
    %get3A_23 = arith.constant 0 : index
    %get3A_24 = vector.load %arg5[%get3A_22, %get3A_23] : memref<1x128xf32, #tpu.memory_space<vmem>>, vector<1x128xf32>
    %add3A_25 = vector.broadcast %get3A_24 : vector<1x128xf32> to vector<1000x128xf32>
    %add3A_26 = arith.addf %add3A_21, %add3A_25 : vector<1000x128xf32>
    %max3A = arith.constant 0.000000e+00 : f32
    %max3A_27 = vector.broadcast %max3A : f32 to vector<1000x128xf32>
    %max3A_28 = arith.maximumf %add3A_26, %max3A_27 : vector<1000x128xf32>
    %get3A_29 = arith.constant 0 : index
    %get3A_30 = arith.constant 0 : index
    %get3A_31 = vector.load %arg6[%get3A_29, %get3A_30] : memref<128x128xf32, #tpu.memory_space<vmem>>, vector<128x128xf32>
    %dot_general3A_32 = arith.constant dense<0.000000e+00> : vector<1000x128xf32>
    %dot_general3A_33 = tpu.matmul %max3A_28, %get3A_31, %dot_general3A_32 {dimension_numbers = #tpu.dot_dimension_numbers<[1], [0], [0], [1], [0, 0, 1, 1], [], []>, transpose_lhs_hint = false} : vector<1000x128xf32>, vector<128x128xf32>, vector<1000x128xf32> -> vector<1000x128xf32>
    %get3A_34 = arith.constant 0 : index
    %get3A_35 = arith.constant 0 : index
    %get3A_36 = vector.load %arg7[%get3A_34, %get3A_35] : memref<1x128xf32, #tpu.memory_space<vmem>>, vector<1x128xf32>
    %add3A_37 = vector.broadcast %get3A_36 : vector<1x128xf32> to vector<1000x128xf32>
    %add3A_38 = arith.addf %dot_general3A_33, %add3A_37 : vector<1000x128xf32>
    %max3A_39 = arith.constant 0.000000e+00 : f32
    %max3A_40 = vector.broadcast %max3A_39 : f32 to vector<1000x128xf32>
    %max3A_41 = arith.maximumf %add3A_38, %max3A_40 : vector<1000x128xf32>
    %get3A_42 = arith.constant 0 : index
    %get3A_43 = arith.constant 0 : index
    %get3A_44 = vector.load %arg8[%get3A_42, %get3A_43] : memref<128x128xf32, #tpu.memory_space<vmem>>, vector<128x128xf32>
    %dot_general3A_45 = arith.constant dense<0.000000e+00> : vector<1000x128xf32>
    %dot_general3A_46 = tpu.matmul %max3A_41, %get3A_44, %dot_general3A_45 {dimension_numbers = #tpu.dot_dimension_numbers<[1], [0], [0], [1], [0, 0, 1, 1], [], []>, transpose_lhs_hint = false} : vector<1000x128xf32>, vector<128x128xf32>, vector<1000x128xf32> -> vector<1000x128xf32>
    %get3A_47 = arith.constant 0 : index
    %get3A_48 = arith.constant 0 : index
    %get3A_49 = vector.load %arg9[%get3A_47, %get3A_48] : memref<1x128xf32, #tpu.memory_space<vmem>>, vector<1x128xf32>
    %add3A_50 = vector.broadcast %get3A_49 : vector<1x128xf32> to vector<1000x128xf32>
    %add3A_51 = arith.addf %dot_general3A_46, %add3A_50 : vector<1000x128xf32>
    %swap3A = arith.constant 0 : index
    %swap3A_52 = arith.constant 0 : index
    %swap3A_53 = vector.load %arg10[%swap3A, %swap3A_52] : memref<1000x128xf32, #tpu.memory_space<vmem>>, vector<1000x128xf32>
    tpu.vector_store %arg10[%swap3A, %swap3A_52], %add3A_51 {strides = array<i32>} : memref<1000x128xf32, #tpu.memory_space<vmem>>, vector<1000x128xf32>,
    return
  }
  func.func @transform_0(%arg0: i32) -> (i32, i32, i32) {
    %c0_i32 = arith.constant 0 : i32
    %c0_i32_0 = arith.constant 0 : i32
    %c0_i32_1 = arith.constant 0 : i32
    return %c0_i32, %arg0, %c0_i32_0 : i32, i32, i32
  }
  func.func @transform_1(%arg0: i32) -> (i32, i32) {
    %c0_i32 = arith.constant 0 : i32
    %c0_i32_0 = arith.constant 0 : i32
    return %arg0, %c0_i32 : i32, i32
  }
  func.func @transform_2(%arg0: i32) -> (i32, i32) {
    %c0_i32 = arith.constant 0 : i32
    %c0_i32_0 = arith.constant 0 : i32
    %c0_i32_1 = arith.constant 0 : i32
    return %c0_i32, %c0_i32_0 : i32, i32
  }
  func.func @transform_3(%arg0: i32) -> (i32, i32) {
    %c0_i32 = arith.constant 0 : i32
    %c0_i32_0 = arith.constant 0 : i32
    %c0_i32_1 = arith.constant 0 : i32
    return %c0_i32, %c0_i32_0 : i32, i32
  }
  func.func @transform_4(%arg0: i32) -> (i32, i32) {
    %c0_i32 = arith.constant 0 : i32
    %c0_i32_0 = arith.constant 0 : i32
    %c0_i32_1 = arith.constant 0 : i32
    return %c0_i32, %c0_i32_0 : i32, i32
  }
  func.func @transform_5(%arg0: i32) -> (i32, i32) {
    %c0_i32 = arith.constant 0 : i32
    %c0_i32_0 = arith.constant 0 : i32
    %c0_i32_1 = arith.constant 0 : i32
    return %c0_i32, %c0_i32_0 : i32, i32
  }
  func.func @transform_6(%arg0: i32) -> (i32, i32) {
    %c0_i32 = arith.constant 0 : i32
    %c0_i32_0 = arith.constant 0 : i32
    %c0_i32_1 = arith.constant 0 : i32
    return %c0_i32, %c0_i32_0 : i32, i32
  }
  func.func @transform_7(%arg0: i32) -> (i32, i32) {
    %c0_i32 = arith.constant 0 : i32
    %c0_i32_0 = arith.constant 0 : i32
    %c0_i32_1 = arith.constant 0 : i32
    return %c0_i32, %c0_i32_0 : i32, i32
  }
  func.func @transform_8(%arg0: i32) -> (i32, i32) {
    %c0_i32 = arith.constant 0 : i32
    %c0_i32_0 = arith.constant 0 : i32
    %c0_i32_1 = arith.constant 0 : i32
    return %c0_i32, %c0_i32_0 : i32, i32
  }
  func.func @transform_9(%arg0: i32) -> (i32, i32) {
    %c0_i32 = arith.constant 0 : i32
    %c0_i32_0 = arith.constant 0 : i32
    return %arg0, %c0_i32 : i32, i32
  }
}

</mosaic_0001>

<sc_bundles>
// kernel: kernel.4.cloned.1.call-start
scs
__scs_entry_jumppad:
0x0: {  	(pc) =	sbr.rel $0x88, $3  }
0x1: {  	(tag) =	ssettag $0x0;
	lr =	simm.s32 $0x1  }
0x2: {  	[smem:$0x3F99] =	sst lr;
	_ =	strace $0xD0000000  }
0x3: {  	_ = 	snop  }
0x4: {  	_ = 	snop  }
0x5: {  	_ = 	snop  }
0x6: {  	_ = 	snop  }
0x7: {  	_ = 	snop  }
__scs_overlays_trampoline_lowered:
0x8: {  	[smem:$0x3FA8] =	sst s0  }
0x9: {  	[smem:$0x3FA9] =	sst s1  }
0xa: {  	[smem:$0x3FAA] =	sst s2  }
0xb: {  	[smem:$0x3FAB] =	sst s3  }
0xc: {  	[smem:$0x3FAC] =	sst s4  }
0xd: {  	[smem:$0x3FAD] =	sst s5  }
0xe: {  	[smem:$0x3FAE] =	sst s6  }
0xf: {  	[smem:$0x3FAF] =	sst s7  }
0x10: {  	[smem:$0x3FB0] =	sst s8  }
0x11: {  	[smem:$0x3FB1] =	sst s9;
	s0 =	simm.s32 @!p0 $0x0  }
0x12: {  	s1 =	sld [smem:$0x3F97];
	s0 =	simm.s32 @p0 $0x1  }
0x13: {  	[smem:$0x3FB2] =	sst s0;
	s0 =	simm.s32 @!p1 $0x0  }
0x14: {  	s2 =	sld [smem:$0x3F96];
	s0 =	simm.s32 @p1 $0x1  }
0x15: {  	[smem:$0x3FB3] =	sst s0;
	s0 =	simm.s32 @!p2 $0x0  }
0x16: {  	s3 =	sld [smem:$0x3FDB];
	s0 =	simm.s32 @p2 $0x1  }
0x17: {  	s4 =	simm.s32 $0x1BF5;
	[smem:$0x3FB5] =	sst s0  }
0x18: {  	s0 =	sld [smem:$0x3F98];
	_ =	swait.ge [sflag:s4], $0x0  }
0x19: {  	s7 =	sld [smem:$0x3F99]  }
0x1a: {  	s8 =	sadd.s32 $0xFFFFE003, lr  }
0x1b: {  	s9 =	sadd.s32 $0xFFFFFEF7, lr;
	s5 =	simm.s32 $0xFFFFFFFF;
	p2 =	slt.u32 s8, $0xFFFFF086  }
0x1c: {  	p1 =	slt.u32 s9, $0xF7A;
	s5 =	simm.s32 @!p2 $0x0  }
0x1d: {  	s5 =	simm.s32 @p1 $0x1;
	p0 =	seq.s32 s7, s2  }
0x1e: {  	s7 =	smul.u32 @!p0 $0xF7A, s2;
	p2 =	seq.s32 @!p0 s5, $0x0  }
0x1f: {  	s9 =	smul.u32 $0xF7A, s1;
	s8 =	simm.s32 @!p0 $0x1BF5;
	p2 =	por !p2, p0  }
0x20: {  	[sflag:s8] =	ssyncset.s32 @!p0 $0xFFFFF086;
	s6 =	sadd.s32 @!p0 s3, s7;
	s7 =	simm.s32 @!p0 $0x108  }
0x21: {  	s3 =	sadd.s32 s3, s9;
	s6 =	sadd.s32 @!p0 $0x88, s6;
	s7 =	simm.s32 @p2 $0x1082  }
0x22: {  	[simem:s7], [sflag:s8] =	dma.local @!p0 [hbm:s6], $0xF7A  }
0x23: {  	s9 =	sor.u32 $0xD0000000, s2;
	s6 =	simm.s32 $0x108;
	_ =	swait.ge @!p0 [sflag:s8], $0x0  }
0x24: {  	s3 =	sadd.s32 $0x88, s3;
	s6 =	simm.s32 @!p1 $0x1082;
	[sflag:s4] =	ssyncset.s32 $0xFFFFF086  }
0x25: {  	[simem:s6], [sflag:s4] =	dma.local [hbm:s3], $0xF7A  }
0x26: {  	[smem:$0x3F99] =	sst s1;
	(tag) =	ssettag s2;
	_ =	strace s9  }
0x27: {  	s1 =	sld [smem:$0x3FA9]  }
0x28: {  	s2 =	sld [smem:$0x3FAA]  }
0x29: {  	s4 =	sld [smem:$0x3FAC]  }
0x2a: {  	p0 =	seq.s32 s5, $0x0;
	s5 =	sld [smem:$0x3FAD]  }
0x2b: {  	s6 =	sld [smem:$0x3FAE]  }
0x2c: {  	s7 =	sld [smem:$0x3FAF]  }
0x2d: {  	s3 =	simm.s32 $0x108;
	s8 =	sld [smem:$0x3FB0]  }
0x2e: {  	s3 =	simm.s32 @!p0 $0x1082;
	s9 =	sld [smem:$0x3FB1]  }
0x2f: {  	lr =	sadd.s32 s0, s3;
	s0 =	sld [smem:$0x3FA8]  }
0x30: {  	s3 =	sld [smem:$0x3FAB]  }
0x31: {  	[smem:$0x3FB4] =	sst s10  }
0x32: {  	s10 =	sld [smem:$0x3FB2];
	_ =	sdelay $0x3  }
0x33: {  	p0 =	seq.s32 s10, $0x1;
	s10 =	sld [smem:$0x3FB4];
	_ =	sdelay $0x3  }
0x34: {  	[smem:$0x3FB4] =	sst s10  }
0x35: {  	s10 =	sld [smem:$0x3FB3];
	_ =	sdelay $0x3  }
0x36: {  	p1 =	seq.s32 s10, $0x1;
	s10 =	sld [smem:$0x3FB4];
	_ =	sdelay $0x3  }
0x37: {  	[smem:$0x3FB4] =	sst s10  }
0x38: {  	s10 =	sld [smem:$0x3FB5]  }
0x39: {  	_ = 	snop;
	(pc) =	sbr.ind lr, $3  }
0x3a: {  	_ = 	snop  }
0x3b: {  	_ = 	snop  }
0x3c: {  	p2 =	seq.s32 s10, $0x1;
	s10 =	sld [smem:$0x3FB4]  }
0x3d: {  	_ =	shalt  }
0x3e: {  	_ =	shalt  }
0x3f: {  	_ =	shalt  }
0x40: {  	_ =	shalt  }
0x41: {  	_ =	shalt  }
0x42: {  	_ =	shalt  }
0x43: {  	_ =	shalt  }
0x44: {  	_ =	shalt  }
0x45: {  	_ =	shalt  }
0x46: {  	_ =	shalt  }
0x47: {  	_ =	shalt  }
0x48: {  	_ =	shalt  }
0x49: {  	_ =	shalt  }
0x4a: {  	_ =	shalt  }
0x4b: {  	_ =	shalt  }
0x4c: {  	_ =	shalt  }
0x4d: {  	_ =	shalt  }
0x4e: {  	_ =	shalt  }
0x4f: {  	_ =	shalt  }
0x50: {  	_ =	shalt  }
0x51: {  	_ =	shalt  }
0x52: {  	_ =	shalt  }
0x53: {  	_ =	shalt  }
0x54: {  	_ =	shalt  }
0x55: {  	_ =	shalt  }
0x56: {  	_ =	shalt  }
0x57: {  	_ =	shalt  }
0x58: {  	_ =	shalt  }
0x59: {  	_ =	shalt  }
0x5a: {  	_ =	shalt  }
0x5b: {  	_ =	shalt  }
0x5c: {  	_ =	shalt  }
0x5d: {  	_ =	shalt  }
0x5e: {  	_ =	shalt  }
0x5f: {  	_ =	shalt  }
0x60: {  	_ =	shalt  }
0x61: {  	_ =	shalt  }
0x62: {  	_ =	shalt  }
0x63: {  	_ =	shalt  }
0x64: {  	_ =	shalt  }
0x65: {  	_ =	shalt  }
0x66: {  	_ =	shalt  }
0x67: {  	_ =	shalt  }
0x68: {  	_ =	shalt  }
0x69: {  	_ =	shalt  }
0x6a: {  	_ =	shalt  }
0x6b: {  	_ =	shalt  }
0x6c: {  	_ =	shalt  }
0x6d: {  	_ =	shalt  }
0x6e: {  	_ =	shalt  }
0x6f: {  	_ =	shalt  }
0x70: {  	_ =	shalt  }
0x71: {  	_ =	shalt  }
0x72: {  	_ =	shalt  }
0x73: {  	_ =	shalt  }
0x74: {  	_ =	shalt  }
0x75: {  	_ =	shalt  }
0x76: {  	_ =	shalt  }
0x77: {  	_ =	shalt  }
0x78: {  	_ =	shalt  }
0x79: {  	_ =	shalt  }
0x7a: {  	_ =	shalt  }
0x7b: {  	_ =	shalt  }
0x7c: {  	_ =	shalt  }
0x7d: {  	_ =	shalt  }
0x7e: {  	_ =	shalt  }
0x7f: {  	_ =	shalt  }
0x80: {  	_ =	shalt  }
0x81: {  	_ =	shalt  }
0x82: {  	_ =	shalt  }
0x83: {  	_ =	shalt  }
0x84: {  	_ =	shalt  }
0x85: {  	_ =	shalt  }
0x86: {  	_ =	shalt  }
0x87: {  	_ =	shalt  }
.Lfunc_end0:
.L_simem_size_0:
called_computation_lowered:
.L_overlay_start_0:
0x88: {  	s2 =	sld [smem:$0x3FD9]  }
0x89: {  	s3 =	sld [smem:$0x3FFE];
	_ =	sdelay $0x1  }
0x8a: {  	s1 =	srdreg.scid  }
0x8b: {  	s0 =	sand.u32 $0x1, s1  }
0x8c: {  	s17 =	sshll.u32 s0, $0xA;
	s2 =	sadd.s32 s3, s2  }
0x8d: {  	s2 =	sadd.s32 s2, s17  }
0x8e: {  	[smem:$0x3FC0] =	sst s2  }
0x8f: {  	_ = 	snop  }
0x90: {  	s2 =	sld [smem:$0x3FC9]  }
0x91: {  	s18 =	sld [smem:$0x3FD0];
	(tm) =	ssettm $0x1  }
0x92: {  	s4 =	sld [smem:$0x3FFB];
	_ =	sdelay $0x3  }
0x93: {  	_ =	strace s4  }
0x94: {  	s4 =	sld [smem:$0x3FFC];
	_ =	sdelay $0x3  }
0x95: {  	_ =	strace s4  }
0x96: {  	s4 =	sld [smem:$0x3FFD];
	_ =	sdelay $0x3  }
0x97: {  	_ =	strace s4  }
0x98: {  	_ =	strace $0x8FFFFFFF  }
0x99: {  	s19 =	sld [smem:$0x3FDB];
	_ =	sdelay $0x1  }
0x9a: {  	s5 =	simm.s32 $_scs_section_size  }
0x9b: {  	s6 =	simm.s32 $_size__tile_overlayer_lowered;
	s7 =	simm.s32 $_tile_overlayer_lowered  }
0x9c: {  	s22 =	simm.s32 $0x1BFF;
	s21 =	sshll.u32 s7, $0x1;
	s4 =	sadd.s32 s5, s19  }
0x9d: {  	s8 =	simm.s32 $0x0;
	s20 =	sshll.u32 s6, $0x1;
	s6 =	sadd.s32 s21, s4  }
0x9e: {  	[timem:s8], [sflag:s22] =	dma.local [hbm:s6], s20  }
0x9f: {  	_ =	swait.ge [sflag:s22], s20  }
0xa0: {  	s5 =	ssub.s32 $0x0, s20;
	[sflag:s22] =	ssyncset.done $0x0  }
0xa1: {  	[sflag:s22] =	ssyncadd.s32 s5;
	_ =	sdelay $0x1  }
0xa2: {  	s23 =	simm.s32 $0x1B8B  }
0xa3: {  	_ =	swait.ge [sflag:s23], $0x1  }
0xa4: {  	[sflag:s23] =	ssyncset.done $0x0  }
0xa5: {  	s25 =	simm.s32 $0x1B8E;
	s24 =	sld [smem:$0x3FFE];
	[sflag:s23] =	ssyncadd.s32 $0xFFFFFFFF  }
0xa6: {  	s26 =	simm.s32 $execute0_lowered;
	[smem:$0x3FD2] =	sst s25  }
0xa7: {  	s6 =	sshll.u32 s26, $0x1;
	_ =	strace $0x80000046;
	[dreg:$0x1] =	wrdreg $0xFFFFFFFF  }
0xa8: {  	s28 =	simm.s32 $_size_execute0_lowered;
	s4 =	sadd.s32 s4, s6;
	[dreg:$0x0] =	wrdreg $0x0  }
0xa9: {  	s6 =	sshll.u32 s28, $0x1;
	[dreg:$0x2] =	wrdreg s4  }
0xaa: {  	[dreg:$0x3] =	wrdreg s6  }
0xab: {  	[dreg:$0x4] =	wrdreg $0xC0  }
0xac: {  	_ =	task [dreg:s8], $0x5FFFF  }
0xad: {  	[dreg:$0x1] =	wrdreg $0xFFFFFFFF  }
0xae: {  	[dreg:$0x0] =	wrdreg $0x60  }
0xaf: {  	[dreg:$0x2] =	wrdreg s2  }
0xb0: {  	[dreg:$0x3] =	wrdreg s18  }
0xb1: {  	[dreg:$0x4] =	wrdreg s24  }
0xb2: {  	[dreg:$0x5] =	wrdreg $0x0  }
0xb3: {  	[dreg:$0x6] =	wrdreg $0x9  }
0xb4: {  	_ =	task.clear_ibuf [dreg:s8], $0x7FFFF;
	_ =	strace $0x90000046  }
0xb5: {  	s29 =	simm.s32 $0x9;
	_ =	strace $0x80000048  }
0xb6: {  	_ =	swait.ge [sflag:s29], $0x1  }
0xb7: {  	[sflag:s29] =	ssyncadd.s32 $0xFFFFFFFF  }
0xb8: {  	_ =	strace $0x90000048  }
0xb9: {  	_ =	sfence  }
0xba: {  	s30 =	sld [smem:$0x0];
	_ =	sdelay $0x2  }
0xbb: {  	s31 =	sshll.u32 s1, $0xD;
	s1 =	sshrl.u32 s1, $0x2  }
0xbc: {  	s3 =	sand.u32 $0x4000, s31;
	s1 =	sadd.s32 s1, s30  }
0xbd: {  	s0 =	sor.u32 s3, s0;
	s1 =	sshll.u32 s1, $0x11  }
0xbe: {  	s0 =	sor.u32 s1, s0  }
0xbf: {  	s0 =	sadd.s32 $0x8F2B, s0  }
0xc0: {  	[sflag:s0] =	ssyncadd.remote.s32 $0x1  }
0xc1: {  	_ =	sfence.sel $0xFFFF  }
0xc2: {  	[dreg:$0x0] =	wrdreg $0xFFFFFFFF;
	(pc) =	sbr.abs _section_cstart, $3  }
0xc3: {  	[dreg:$0x1] =	wrdreg $0xFFFFFFFF  }
0xc4: {  	_ =	task.clear_ibuf [dreg:s8], $0x2FFFF;
	_ =	strace $0x9FFFFFFF  }
0xc5: {  	(tm) =	ssettm $0x7FFFFFFF  }
tec
execute0_lowered:
.L_overlay_start_1:
0x0: {  	(tag) =	ssettag $0x1  }
0x1: {  	s1 =	rddreg [dreg:$0x0]  }
0x2: {  	s0 =	rddreg [dreg:$0x1]  }
0x3: {  	s3 =	rddreg [dreg:$0x2]  }
0x4: {  	s2 =	rddreg [dreg:$0x3]  }
0x5: {  	s4 =	simm.s32 $0x0;
	s5 =	srdreg.scid;
	s20 =	stileid.u32  }
0x6: {  	s28 =	simm.s32 $0x1A080;
	s29 =	simm.s32 $0x2;
	s30 =	simm.s32 $0x3  }
0x7: {  	s31 =	simm.s32 $0x4;
	[smem:$0x7FF] =	sst s4;
	s6 =	sadd.s32 $0x1400, s3  }
0x8: {  	s5 =	sand.u32 $0x1, s5;
	s7 =	sshll.u32 s20, $0x1;
	s9 =	smul.u32 $0x4E000, s20  }
0x9: {  	s3 =	sadd.s32 $0xB400, s3;
	s21 =	smul.u32 $0x13800, s20;
	p0 =	sne.s32 s20, $0xF  }
0xa: {  	s20 =	simm.s32 $0x16080;
	_ =	strace $0x80000047;
	s8 =	ssub.s32 $0x2, s5  }
0xb: {  	s7 =	sor.u32 s5, s7;
	s11 =	smul.u32 $0x138800, s5;
	s10 =	sshrl.u32 s8, $0x1  }
0xc: {  	s7 =	smul.u32 $0x2800, s7;
	s9 =	sshrl.u32 s9, $0x2;
	s8 =	ssub.s32 s8, s10  }
0xd: {  	s5 =	sadd.s32 s9, s2;
	s24 =	sadd.s32 s21, s11;
	s13 =	sshrl.u32 s11, $0x3  }
0xe: {  	s21 =	simm.s32 $0x5;
	s19 =	sshrl.u32 s7, $0x3;
	s22 =	sadd.s32 $0x12000, s5  }
0xf: {  	s7 =	sadd.s32 $0x138000, s2;
	s25 =	sshrl.u32 s24, $0x3;
	s26 =	sadd.s32 s3, s13  }
0x10: {  	s14 =	smax.u32 s8, $0x1;
	s15 =	sadd.s32 $0x3000, s5;
	s16 =	sadd.s32 $0x6000, s5  }
0x11: {  	s17 =	sadd.s32 $0x9000, s5;
	s18 =	sadd.s32 $0xC000, s5;
	s24 =	simm.s32 $0x7D  }
0x12: {  	[dreg:$0x5] =	wrdreg s22;
	s12 =	sadd.s32 s0, s19;
	s23 =	sadd.s32 s6, s19  }
0x13: {  	s9 =	sadd.s32 $0x280, s19;
	s13 =	sadd.s32 $0x27000, s26;
	s19 =	sadd.s32 $0xF000, s5  }
0x14: {  	s22 =	simm.s32 $0x13880;
	s26 =	simm.s32 $0x13900;
	[dreg:$0x6] =	wrdreg s12  }
0x15: {  	[dreg:$0x7] =	wrdreg s23;
	s0 =	sadd.s32 s0, s9;
	s11 =	sadd.s32 s6, s9  }
0x16: {  	s12 =	sadd.s32 s3, s25;
	s23 =	simm.s32 $0x14C80;
	s25 =	simm.s32 $0x1  }
0x17: {  	v0 =	vimm.f32 $0.0e+00;
	s3 =	simm.s32 $0x0;
	[dreg:$0x8] =	wrdreg s0;
	s0 =	simm.s32 $0x16000  }
.LBB2_1:
0x18: {  	s6 =	sand.u32 $0xFE00, s4  }
0x19: {  	s8 =	sand.u32 $0x70, s4;
	s9 =	sshrl.u32 s6, $0x2  }
0x1a: {  	s6 =	simm.s32 $0x40;
	s9 =	sor.u32 s8, s9;
	s8 =	simm.s32 $0x0  }
.LBB2_2:
0x1b: {  	p1 =	sne.s32 s6, $0xBFC0  }
0x1c: {  	[tilespmem:s9+$0x16080] =	vst v0;
	s8 =	sadd.s32 $0x10, s8;
	s9 =	smov.u32 s6;
	s6 =	sadd.s32 $0x40, s6  }
.Ltmp0:
0x1d: {  	(pc) =	sbr.rel @p1 .LBB2_2-.Ltmp0, $4  }
0x1e: {  	_ = 	snop  }
0x1f: {  	s9 =	sand.u32 $0xFE00, s9  }
0x20: {  	s10 =	sand.u32 $0x70, s8;
	s9 =	sshrl.u32 s9, $0x2  }
0x21: {  	s9 =	sor.u32 s10, s9  }
0x22: {  	[tilespmem:s9+$0x16080] =	vst v0  }
0x23: {  	[spmem:s5] =	stream.linear.scatter [tilespmem:s20], [sflag:$0x5], $0x3000, $0x38;
	[tilespmem:$0x1E080] =	vst v63  }
0x24: {  	_ =	swait.ge [sflag:s21], $0x3000  }
0x25: {  	[sflag:s21] =	ssyncset.done $0x0  }
0x26: {  	[sflag:s21] =	ssyncadd.s32 $0xFFFFD000  }
0x27: {  	[spmem:s15] =	stream.linear.scatter [tilespmem:s20], [sflag:$0x5], $0x3000, $0x38;
	[tilespmem:$0x1E080] =	vst v63  }
0x28: {  	_ =	swait.ge [sflag:s21], $0x3000  }
0x29: {  	[sflag:s21] =	ssyncset.done $0x0  }
0x2a: {  	[sflag:s21] =	ssyncadd.s32 $0xFFFFD000  }
0x2b: {  	[spmem:s16] =	stream.linear.scatter [tilespmem:s20], [sflag:$0x5], $0x3000, $0x38;
	[tilespmem:$0x1E080] =	vst v63  }
0x2c: {  	_ =	swait.ge [sflag:s21], $0x3000  }
0x2d: {  	[sflag:s21] =	ssyncset.done $0x0  }
0x2e: {  	[sflag:s21] =	ssyncadd.s32 $0xFFFFD000  }
0x2f: {  	[spmem:s17] =	stream.linear.scatter [tilespmem:s20], [sflag:$0x5], $0x3000, $0x38;
	[tilespmem:$0x1E080] =	vst v63  }
0x30: {  	_ =	swait.ge [sflag:s21], $0x3000  }
0x31: {  	[sflag:s21] =	ssyncset.done $0x0  }
0x32: {  	[sflag:s21] =	ssyncadd.s32 $0xFFFFD000  }
0x33: {  	[spmem:s18] =	stream.linear.scatter [tilespmem:s20], [sflag:$0x5], $0x3000, $0x38;
	[tilespmem:$0x1E080] =	vst v63  }
0x34: {  	_ =	swait.ge [sflag:s21], $0x3000  }
0x35: {  	[sflag:s21] =	ssyncset.done $0x0  }
0x36: {  	[sflag:s21] =	ssyncadd.s32 $0xFFFFD000  }
0x37: {  	[spmem:s19] =	stream.linear.scatter [tilespmem:s20], [sflag:$0x5], $0x3000, $0x38;
	[tilespmem:$0x1E080] =	vst v63  }
0x38: {  	_ =	swait.ge [sflag:s21], $0x3000  }
0x39: {  	[sflag:s21] =	ssyncset.done $0x0  }
0x3a: {  	s6 =	rddreg [dreg:$0x5];
	[sflag:s21] =	ssyncadd.s32 $0xFFFFD000  }
0x3b: {  	[spmem:s6] =	stream.linear.scatter [tilespmem:s20], [sflag:$0x5], $0x1800, $0x38;
	[tilespmem:$0x1E080] =	vst v63  }
0x3c: {  	_ =	swait.ge [sflag:s21], $0x1800  }
0x3d: {  	[sflag:s21] =	ssyncset.done $0x0  }
0x3e: {  	s6 =	simm.s32 @!p0 $0x16080;
	[sflag:s21] =	ssyncadd.s32 $0xFFFFE800  }
0x3f: {  	[spmem:s7] =	stream.linear.scatter @!p0 [tilespmem:s6], [sflag:$0x5], $0x800, $0x38;
	[tilespmem:$0x1E080] =	vst v63  }
0x40: {  	s6 =	simm.s32 @!p0 $0x5  }
0x41: {  	_ =	swait.ge @!p0 [sflag:s6], $0x800  }
0x42: {  	[sflag:s6] =	ssyncset.done @!p0 $0x0  }
0x43: {  	[sflag:s6] =	ssyncadd.s32 @!p0 $0xFFFFF800  }
0x44: {  	[bflag:$0x0] =	sbarrier.arrive $0xFFFF  }
0x45: {  	s9 =	rddreg [dreg:$0x6]  }
0x46: {  	[tilespmem:s22], [sflag:$0x5] =	stream.linear.gather [hbm4b:s9+s4], $0x1400, $0x38;
	[tilespmem:$0x1E080] =	vst v63  }
0x47: {  	_ =	swait.ge [sflag:s21], $0x1400  }
0x48: {  	[sflag:s21] =	ssyncset.done $0x0  }
0x49: {  	s10 =	rddreg [dreg:$0x7];
	[sflag:s21] =	ssyncadd.s32 $0xFFFFEC00  }
0x4a: {  	[tilespmem:s23], [sflag:$0x5] =	stream.linear.gather [hbm4b:s10+s4], $0x1400, $0x38;
	[tilespmem:$0x1E080] =	vst v63  }
0x4b: {  	_ =	swait.ge [sflag:s21], $0x1400  }
0x4c: {  	[sflag:s21] =	ssyncset.done $0x0  }
0x4d: {  	[sflag:s21] =	ssyncadd.s32 $0xFFFFEC00  }
0x4e: {  	[tilespmem:s20], [sflag:$0x1] =	stream.indirect.gather [hbm4b:s1+s24], $0x80, s22, s24, $0xb8;
	[tilespmem:$0x1E080] =	vst v63  }
0x4f: {  	_ =	swait.ge [sflag:s25], $0x3E80  }
0x50: {  	[sflag:s25] =	ssyncset.done $0x0  }
0x51: {  	[sflag:s25] =	ssyncadd.s32 $0xFFFFC180  }
0x52: {  	[spmem:s2] =	stream.indirect.scatter.add.f32 [tilespmem:s20], [sflag:$0x3], $0x80, s23, s24, $0xb8;
	[tilespmem:$0x1E080] =	vst v63  }
0x53: {  	_ = 	snop  }
0x54: {  	[tilespmem:s28], [sflag:$0x2] =	stream.indirect.gather [hbm4b:s1+s24], $0x80, s26, s24, $0xb8;
	[tilespmem:$0x1E080] =	vst v63  }
0x55: {  	_ =	swait.ge [sflag:s29], $0x3E80  }
0x56: {  	[sflag:s29] =	ssyncset.done $0x0  }
0x57: {  	s8 =	simm.s32 $0x14D00;
	[sflag:s29] =	ssyncadd.s32 $0xFFFFC180  }
0x58: {  	[spmem:s2] =	stream.indirect.scatter.add.f32 [tilespmem:s28], [sflag:$0x4], $0x80, s8, s24, $0xb8;
	[tilespmem:$0x1E080] =	vst v63  }
0x59: {  	_ =	swait.ge [sflag:s30], $0x3E80  }
0x5a: {  	[sflag:s30] =	ssyncset.done $0x0  }
0x5b: {  	s9 =	simm.s32 $0x13980;
	[sflag:s30] =	ssyncadd.s32 $0xFFFFC180  }
0x5c: {  	[tilespmem:s20], [sflag:$0x1] =	stream.indirect.gather [hbm4b:s1+s24], $0x80, s9, s24, $0xb8;
	[tilespmem:$0x1E080] =	vst v63  }
0x5d: {  	_ =	swait.ge [sflag:s25], $0x3E80  }
0x5e: {  	[sflag:s25] =	ssyncset.done $0x0  }
0x5f: {  	s10 =	simm.s32 $0x14D80;
	[sflag:s25] =	ssyncadd.s32 $0xFFFFC180  }
0x60: {  	[spmem:s2] =	stream.indirect.scatter.add.f32 [tilespmem:s20], [sflag:$0x3], $0x80, s10, s24, $0xb8;
	[tilespmem:$0x1E080] =	vst v63  }
0x61: {  	_ =	swait.ge [sflag:s31], $0x3E80  }
0x62: {  	[sflag:s31] =	ssyncset.done $0x0  }
0x63: {  	s6 =	simm.s32 $0xFFFFB800;
	s8 =	simm.s32 $0x13A00;
	[sflag:s31] =	ssyncadd.s32 $0xFFFFC180  }
.LBB2_4:
0x64: {  	[tilespmem:s28], [sflag:$0x2] =	stream.indirect.gather [hbm4b:s1+s24], $0x80, s8, s24, $0xb8;
	[tilespmem:$0x1E080] =	vst v63  }
0x65: {  	s8 =	smov.u32 s6  }
0x66: {  	p1 =	sne.s32 s6, $0xFFFFFC00;
	s6 =	sadd.s32 $0x400, s6;
	_ =	swait.ge [sflag:s29], $0x3E80  }
0x67: {  	s8 =	sshra.s32 s8, $0x2;
	[sflag:s29] =	ssyncset.done $0x0  }
0x68: {  	s9 =	sadd.s32 $0x16000, s8;
	[sflag:s29] =	ssyncadd.s32 $0xFFFFC180  }
0x69: {  	[spmem:s2] =	stream.indirect.scatter.add.f32 [tilespmem:s28], [sflag:$0x4], $0x80, s9, s24, $0xb8;
	[tilespmem:$0x1E080] =	vst v63  }
0x6a: {  	_ =	swait.ge [sflag:s30], $0x3E80  }
0x6b: {  	[sflag:s30] =	ssyncset.done $0x0  }
0x6c: {  	s9 =	sadd.s32 $0x14C80, s8;
	[sflag:s30] =	ssyncadd.s32 $0xFFFFC180  }
0x6d: {  	[tilespmem:s20], [sflag:$0x1] =	stream.indirect.gather [hbm4b:s1+s24], $0x80, s9, s24, $0xb8;
	[tilespmem:$0x1E080] =	vst v63  }
0x6e: {  	_ =	swait.ge [sflag:s25], $0x3E80  }
0x6f: {  	[sflag:s25] =	ssyncset.done $0x0  }
.Ltmp1:
0x70: {  	s9 =	sadd.s32 $0x16080, s8;
	[sflag:s25] =	ssyncadd.s32 $0xFFFFC180;
	(pc) =	sbr.rel @p1 .LBB2_4-.Ltmp1, $4  }
0x71: {  	[spmem:s2] =	stream.indirect.scatter.add.f32 [tilespmem:s20], [sflag:$0x3], $0x80, s9, s24, $0xb8;
	[tilespmem:$0x1E080] =	vst v63  }
0x72: {  	_ =	swait.ge [sflag:s31], $0x3E80  }
0x73: {  	[sflag:s31] =	ssyncset.done $0x0  }
0x74: {  	s8 =	sadd.s32 $0x14D00, s8;
	[sflag:s31] =	ssyncadd.s32 $0xFFFFC180  }
0x75: {  	[tilespmem:s28], [sflag:$0x2] =	stream.indirect.gather [hbm4b:s1+s24], $0x80, s8, s24, $0xb8;
	[tilespmem:$0x1E080] =	vst v63  }
0x76: {  	_ =	swait.ge [sflag:s29], $0x3E80  }
0x77: {  	[sflag:s29] =	ssyncset.done $0x0  }
0x78: {  	[sflag:s29] =	ssyncadd.s32 $0xFFFFC180  }
0x79: {  	[spmem:s2] =	stream.indirect.scatter.add.f32 [tilespmem:s28], [sflag:$0x4], $0x80, s0, s24, $0xb8;
	[tilespmem:$0x1E080] =	vst v63  }
0x7a: {  	_ =	swait.ge [sflag:s30], $0x3E80  }
0x7b: {  	[sflag:s30] =	ssyncset.done $0x0  }
0x7c: {  	[sflag:s30] =	ssyncadd.s32 $0xFFFFC180  }
0x7d: {  	_ =	swait.ge [sflag:s31], $0x3E80  }
0x7e: {  	[sflag:s31] =	ssyncset.done $0x0  }
0x7f: {  	s6 =	rddreg [dreg:$0x8];
	[sflag:s31] =	ssyncadd.s32 $0xFFFFC180  }
0x80: {  	[tilespmem:s22], [sflag:$0x5] =	stream.linear.gather [hbm4b:s6+s4], $0x1400, $0x38;
	[tilespmem:$0x1E080] =	vst v63  }
0x81: {  	_ =	swait.ge [sflag:s21], $0x1400  }
0x82: {  	[sflag:s21] =	ssyncset.done $0x0  }
0x83: {  	[sflag:s21] =	ssyncadd.s32 $0xFFFFEC00  }
0x84: {  	[tilespmem:s23], [sflag:$0x5] =	stream.linear.gather [hbm4b:s11+s4], $0x1400, $0x38;
	[tilespmem:$0x1E080] =	vst v63  }
0x85: {  	_ =	swait.ge [sflag:s21], $0x1400  }
0x86: {  	[sflag:s21] =	ssyncset.done $0x0  }
0x87: {  	[sflag:s21] =	ssyncadd.s32 $0xFFFFEC00  }
0x88: {  	[tilespmem:s20], [sflag:$0x1] =	stream.indirect.gather [hbm4b:s1+s24], $0x80, s22, s24, $0xb8;
	[tilespmem:$0x1E080] =	vst v63  }
0x89: {  	_ =	swait.ge [sflag:s25], $0x3E80  }
0x8a: {  	[sflag:s25] =	ssyncset.done $0x0  }
0x8b: {  	[sflag:s25] =	ssyncadd.s32 $0xFFFFC180  }
0x8c: {  	[spmem:s2] =	stream.indirect.scatter.add.f32 [tilespmem:s20], [sflag:$0x3], $0x80, s23, s24, $0xb8;
	[tilespmem:$0x1E080] =	vst v63  }
0x8d: {  	_ = 	snop  }
0x8e: {  	[tilespmem:s28], [sflag:$0x2] =	stream.indirect.gather [hbm4b:s1+s24], $0x80, s26, s24, $0xb8;
	[tilespmem:$0x1E080] =	vst v63  }
0x8f: {  	_ =	swait.ge [sflag:s29], $0x3E80  }
0x90: {  	[sflag:s29] =	ssyncset.done $0x0  }
0x91: {  	s8 =	simm.s32 $0x14D00;
	[sflag:s29] =	ssyncadd.s32 $0xFFFFC180  }
0x92: {  	[spmem:s2] =	stream.indirect.scatter.add.f32 [tilespmem:s28], [sflag:$0x4], $0x80, s8, s24, $0xb8;
	[tilespmem:$0x1E080] =	vst v63  }
0x93: {  	_ =	swait.ge [sflag:s30], $0x3E80  }
0x94: {  	[sflag:s30] =	ssyncset.done $0x0  }
0x95: {  	s9 =	simm.s32 $0x13980;
	[sflag:s30] =	ssyncadd.s32 $0xFFFFC180  }
0x96: {  	[tilespmem:s20], [sflag:$0x1] =	stream.indirect.gather [hbm4b:s1+s24], $0x80, s9, s24, $0xb8;
	[tilespmem:$0x1E080] =	vst v63  }
0x97: {  	_ =	swait.ge [sflag:s25], $0x3E80  }
0x98: {  	[sflag:s25] =	ssyncset.done $0x0  }
0x99: {  	s10 =	simm.s32 $0x14D80;
	[sflag:s25] =	ssyncadd.s32 $0xFFFFC180  }
0x9a: {  	[spmem:s2] =	stream.indirect.scatter.add.f32 [tilespmem:s20], [sflag:$0x3], $0x80, s10, s24, $0xb8;
	[tilespmem:$0x1E080] =	vst v63  }
0x9b: {  	_ =	swait.ge [sflag:s31], $0x3E80  }
0x9c: {  	[sflag:s31] =	ssyncset.done $0x0  }
0x9d: {  	s6 =	simm.s32 $0xFFFFB800;
	s8 =	simm.s32 $0x13A00;
	[sflag:s31] =	ssyncadd.s32 $0xFFFFC180  }
.LBB2_6:
0x9e: {  	[tilespmem:s28], [sflag:$0x2] =	stream.indirect.gather [hbm4b:s1+s24], $0x80, s8, s24, $0xb8;
	[tilespmem:$0x1E080] =	vst v63  }
0x9f: {  	s8 =	smov.u32 s6  }
0xa0: {  	p1 =	sne.s32 s6, $0xFFFFFC00;
	s6 =	sadd.s32 $0x400, s6;
	_ =	swait.ge [sflag:s29], $0x3E80  }
0xa1: {  	s8 =	sshra.s32 s8, $0x2;
	[sflag:s29] =	ssyncset.done $0x0  }
0xa2: {  	s9 =	sadd.s32 $0x16000, s8;
	[sflag:s29] =	ssyncadd.s32 $0xFFFFC180  }
0xa3: {  	[spmem:s2] =	stream.indirect.scatter.add.f32 [tilespmem:s28], [sflag:$0x4], $0x80, s9, s24, $0xb8;
	[tilespmem:$0x1E080] =	vst v63  }
0xa4: {  	_ =	swait.ge [sflag:s30], $0x3E80  }
0xa5: {  	[sflag:s30] =	ssyncset.done $0x0  }
0xa6: {  	s9 =	sadd.s32 $0x14C80, s8;
	[sflag:s30] =	ssyncadd.s32 $0xFFFFC180  }
0xa7: {  	[tilespmem:s20], [sflag:$0x1] =	stream.indirect.gather [hbm4b:s1+s24], $0x80, s9, s24, $0xb8;
	[tilespmem:$0x1E080] =	vst v63  }
0xa8: {  	_ =	swait.ge [sflag:s25], $0x3E80  }
0xa9: {  	[sflag:s25] =	ssyncset.done $0x0  }
.Ltmp2:
0xaa: {  	s9 =	sadd.s32 $0x16080, s8;
	[sflag:s25] =	ssyncadd.s32 $0xFFFFC180;
	(pc) =	sbr.rel @p1 .LBB2_6-.Ltmp2, $4  }
0xab: {  	[spmem:s2] =	stream.indirect.scatter.add.f32 [tilespmem:s20], [sflag:$0x3], $0x80, s9, s24, $0xb8;
	[tilespmem:$0x1E080] =	vst v63  }
0xac: {  	_ =	swait.ge [sflag:s31], $0x3E80  }
0xad: {  	[sflag:s31] =	ssyncset.done $0x0  }
0xae: {  	s8 =	sadd.s32 $0x14D00, s8;
	[sflag:s31] =	ssyncadd.s32 $0xFFFFC180  }
0xaf: {  	[tilespmem:s28], [sflag:$0x2] =	stream.indirect.gather [hbm4b:s1+s24], $0x80, s8, s24, $0xb8;
	[tilespmem:$0x1E080] =	vst v63  }
0xb0: {  	_ =	swait.ge [sflag:s29], $0x3E80  }
0xb1: {  	[sflag:s29] =	ssyncset.done $0x0  }
0xb2: {  	[sflag:s29] =	ssyncadd.s32 $0xFFFFC180  }
0xb3: {  	[spmem:s2] =	stream.indirect.scatter.add.f32 [tilespmem:s28], [sflag:$0x4], $0x80, s0, s24, $0xb8;
	[tilespmem:$0x1E080] =	vst v63  }
0xb4: {  	_ =	swait.ge [sflag:s30], $0x3E80  }
0xb5: {  	[sflag:s30] =	ssyncset.done $0x0  }
0xb6: {  	[sflag:s30] =	ssyncadd.s32 $0xFFFFC180  }
0xb7: {  	_ =	swait.ge [sflag:s31], $0x3E80  }
0xb8: {  	s6 =	stileid.u32;
	[sflag:s31] =	ssyncset.done $0x0  }
0xb9: {  	s6 =	sshll.u32 s6, $0x6;
	[sflag:s31] =	ssyncadd.s32 $0xFFFFC180  }
0xba: {  	s10 =	sshrl.u32 s5, $0x3;
	s6 =	sor.u32 $0x1C05, s6;
	[bflag:$0x0] =	sbarrier.arrive $0xFFFF  }
0xbb: {  	[hbm:s12], [sflag:s6] =	dma.local [spmem:s10], $0x2700  }
0xbc: {  	_ =	swait.ge [sflag:s21], $0x2700  }
0xbd: {  	s3 =	sadd.s32 $0x1, s3;
	[sflag:s21] =	ssyncset.done $0x0  }
0xbe: {  	s8 =	sshrl.u32 @!p0 s7, $0x3;
	p1 =	sne.s32 s3, s14;
	[sflag:s21] =	ssyncadd.s32 $0xFFFFD900  }
0xbf: {  	[hbm:s13], [sflag:s6] =	dma.local @!p0 [spmem:s8], $0x100  }
.Ltmp3:
0xc0: {  	_ = 	snop;
	(pc) =	sbr.rel @p1 .LBB2_1-.Ltmp3, $4  }
0xc1: {  	s6 =	simm.s32 @!p0 $0x5  }
0xc2: {  	_ =	swait.ge @!p0 [sflag:s6], $0x100  }
0xc3: {  	[sflag:s6] =	ssyncset.done @!p0 $0x0  }
0xc4: {  	[sflag:s6] =	ssyncadd.s32 @!p0 $0xFFFFFF00  }
0xc5: {  	_ =	sfence.sel $0x180000  }
0xc6: {  	[bflag:$0x0] =	sbarrier.arrive $0xFFFF  }
0xc7: {  	_ =	strace $0x90000047  }
0xc8: {  	s0 =	stileid.u32;
	[bflag:$0x2] =	sbarrier.arrive $0xFFFF  }
0xc9: {  	p0 =	sne.s32 s0, $0x0;
	s0 =	rddreg [dreg:$0x4]  }
0xca: {  	s0 =	sadd.s32 @!p0 $0x100000, s0  }
0xcb: {  	[sflag:s0] =	ssyncadd.tile.s32 @!p0 $0x1;
	_ =	shalt  }
.Lfunc_end2:
_tile_overlayer_lowered:
.L_overlay_start_2:
0xcc: {  	(tag) =	ssettag $0x2  }
0xcd: {  	s0 =	rddreg [dreg:$0x0];
	s2 =	stileid.u32  }
0xce: {  	s1 =	rddreg [dreg:$0x1];
	p0 =	sne.s32 s2, $0x0  }
0xcf: {  	s3 =	rddreg [dreg:$0x2];
	[bflag:$0x3] =	sbarrier.arrive $0xFFFF;
	s2 =	simm.s32 @!p0 $0x1C05  }
0xd0: {  	[timem:s3], [sflag:s2] =	dma.local @!p0 [hbm:s0], s1  }
0xd1: {  	s0 =	simm.s32 @!p0 $0x5  }
0xd2: {  	_ =	swait.ge @!p0 [sflag:s0], s1  }
0xd3: {  	s1 =	ssub.s32 @!p0 $0x0, s1;
	[sflag:s0] =	ssyncset.done @!p0 $0x0  }
0xd4: {  	[sflag:s0] =	ssyncadd.s32 @!p0 s1  }
0xd5: {  	[bflag:$0x3] =	sbarrier.arrive $0xFFFF  }
0xd6: {  	_ =	shalt  }

</sc_bundles>
